<compile_context>
chip_gen: v7x
topology: tpu7x:2x2x1
jax: 0.10.2.dev20260603
libtpu: 0.0.44.dev20260713+nightly
codegen_flags: <defaults>
</compile_context>

<pallas_src>
import functools

import jax
import jax.numpy as jnp
from jax import lax
from jax.experimental import pallas as pl
from jax.experimental.pallas import tpu as pltpu
from jax.experimental.pallas import tpu_sc as plsc

N = 10000
D = 128
NP = 10240
NC, NS = 2, 16
NW = NC * NS
B = 128
H = D // NC
RPT = NP // NS

_MESH = dict(core_axis_name="c", subcore_axis_name="s")
_NOTC = pltpu.CompilerParams(use_tc_tiling_on_sc=False)


def _sc_degree(dst, ones_rows, z16, ep):
    ept = ep // NW
    g = ept // B

    @functools.partial(
        pl.kernel,
        out_type=jax.ShapeDtypeStruct((NC * NP, 16), jnp.float32),
        mesh=plsc.VectorSubcoreMesh(**_MESH),
        compiler_params=_NOTC,
        scratch_types=[
            pltpu.VMEM((B,), jnp.int32),
            pltpu.VMEM((B, 16), jnp.float32),
            pltpu.VMEM((RPT, 16), jnp.float32),
            pltpu.VMEM_SHARED((NP, 16), jnp.float32),
        ],
    )
    def deg_kernel(dst_hbm, ones_hbm, z_hbm, out_hbm, didx, ones_v, dbuf, acc):
        c = lax.axis_index("c")
        s = lax.axis_index("s")
        pltpu.sync_copy(ones_hbm, ones_v)
        pltpu.sync_copy(z_hbm, dbuf)
        pltpu.sync_copy(dbuf, acc.at[pl.ds(s * RPT, RPT)])
        plsc.subcore_barrier()

        wid = c * NS + s

        def body(i, _):
            pltpu.sync_copy(dst_hbm.at[pl.ds(wid * ept + i * B, B)], didx)
            pltpu.sync_copy(ones_v, acc.at[didx], add=True)
            return 0

        lax.fori_loop(0, g, body, 0)
        plsc.subcore_barrier()
        pltpu.sync_copy(acc.at[pl.ds(s * RPT, RPT)], dbuf)
        pltpu.sync_copy(dbuf, out_hbm.at[pl.ds(c * NP + s * RPT, RPT)])

    return deg_kernel(dst, ones_rows, z16).reshape(NC, NP, 16)


_NBUF = 4


def _sc_aggregate(h_split, src2d, dst2d, zrows, ep):
    ept = ep // NS
    g = ept // B
    assert g % _NBUF == 0

    @functools.partial(
        pl.kernel,
        out_type=jax.ShapeDtypeStruct((NC * NP, H), jnp.float32),
        mesh=plsc.VectorSubcoreMesh(**_MESH),
        compiler_params=_NOTC,
        scratch_types=[
            pltpu.VMEM((g, B), jnp.int32),
            pltpu.VMEM((g, B), jnp.int32),
            [pltpu.VMEM((B, H), jnp.float32) for _ in range(_NBUF)],
            pltpu.VMEM_SHARED((NP, H), jnp.float32),
            [pltpu.SemaphoreType.DMA for _ in range(_NBUF)],
            [pltpu.SemaphoreType.DMA for _ in range(_NBUF)],
        ],
    )
    def agg_kernel(h_hbm, src_hbm, dst_hbm, z_hbm, out_hbm,
                   sidx, didx, rows, acc, gsems, ssems):
        c = lax.axis_index("c")
        s = lax.axis_index("s")
        pltpu.sync_copy(src_hbm.at[pl.ds((c * NS + s) * g, g)], sidx)
        pltpu.sync_copy(dst_hbm.at[pl.ds(s * g, g)], didx)
        pltpu.sync_copy(z_hbm, rows[0])

        def zbody(k, _):
            pltpu.sync_copy(rows[0], acc.at[pl.ds(s * RPT + k * B, B)])
            return 0

        lax.fori_loop(0, RPT // B, zbody, 0)
        plsc.subcore_barrier()

        def body(io, _):
            i0 = io * _NBUF
            gd = [
                pltpu.async_copy(h_hbm.at[sidx.at[i0 + j]], rows[j], gsems[j])
                for j in range(_NBUF)
            ]
            sd = []
            for j in range(_NBUF):
                gd[j].wait()
                sd.append(pltpu.async_copy(
                    rows[j], acc.at[didx.at[i0 + j]], ssems[j], add=True))
            for j in range(_NBUF):
                sd[j].wait()
            return 0

        lax.fori_loop(0, g // _NBUF, body, 0)
        plsc.subcore_barrier()

        def dbody(k, _):
            r0 = s * RPT + k * B
            pltpu.sync_copy(acc.at[pl.ds(r0, B)], rows[0])
            pltpu.sync_copy(rows[0], out_hbm.at[pl.ds(c * NP + r0, B)])
            return 0

        lax.fori_loop(0, RPT // B, dbody, 0)

    return agg_kernel(h_split, src2d, dst2d, zrows).reshape(NC, NP, H)


_BLK = 1024


def _dinv_of(deg_ref):
    d = deg_ref[0, :, 0:1] + deg_ref[1, :, 0:1] + 1.0
    return lax.rsqrt(d)


def _split(h):
    return h[:, :H], h[:, H:]


def _tc_prescale_matmul(deg2, x, w):

    def body(deg_ref, x_ref, w_ref, o_ref):
        dinv = _dinv_of(deg_ref)
        h = jnp.dot(x_ref[...], w_ref[...],
                    preferred_element_type=jnp.float32) * dinv
        lo, hi = _split(h)
        o_ref[0] = lo
        o_ref[1] = hi

    return pl.pallas_call(
        body,
        grid=(NP // _BLK,),
        in_specs=[
            pl.BlockSpec((NC, _BLK, 16), lambda i: (0, i, 0)),
            pl.BlockSpec((_BLK, D), lambda i: (i, 0)),
            pl.BlockSpec((D, D), lambda i: (0, 0)),
        ],
        out_specs=pl.BlockSpec((NC, _BLK, H), lambda i: (0, i, 0)),
        out_shape=jax.ShapeDtypeStruct((NC, NP, H), jnp.float32),
    )(deg2, x, w)


def _norm_relu(p_ref, hp_ref, deg_ref, b_ref):
    dinv = _dinv_of(deg_ref)
    agg = jnp.concatenate([p_ref[0], p_ref[1]], axis=1)
    hp = jnp.concatenate([hp_ref[0], hp_ref[1]], axis=1)
    z = (agg + hp) * dinv + b_ref[...]
    m = jnp.mean(z, axis=1, keepdims=True)
    v = jnp.mean((z - m) ** 2, axis=1, keepdims=True)
    return jnp.maximum((z - m) * lax.rsqrt(v + 1e-5), 0.0), dinv


def _tc_post_matmul(parts, hp, deg2, b, w):

    def body(p_ref, h_ref, deg_ref, b_ref, w_ref, o_ref):
        y, dinv = _norm_relu(p_ref, h_ref, deg_ref, b_ref)
        h2 = jnp.dot(y, w_ref[...], preferred_element_type=jnp.float32) * dinv
        lo, hi = _split(h2)
        o_ref[0] = lo
        o_ref[1] = hi

    return pl.pallas_call(
        body,
        grid=(NP // _BLK,),
        in_specs=[
            pl.BlockSpec((NC, _BLK, H), lambda i: (0, i, 0)),
            pl.BlockSpec((NC, _BLK, H), lambda i: (0, i, 0)),
            pl.BlockSpec((NC, _BLK, 16), lambda i: (0, i, 0)),
            pl.BlockSpec((1, D), lambda i: (0, 0)),
            pl.BlockSpec((D, D), lambda i: (0, 0)),
        ],
        out_specs=pl.BlockSpec((NC, _BLK, H), lambda i: (0, i, 0)),
        out_shape=jax.ShapeDtypeStruct((NC, NP, H), jnp.float32),
    )(parts, hp, deg2, b, w)


def _tc_post_final(parts, hp, deg2, b):

    def body(p_ref, h_ref, deg_ref, b_ref, o_ref):
        y, _ = _norm_relu(p_ref, h_ref, deg_ref, b_ref)
        o_ref[...] = y

    return pl.pallas_call(
        body,
        grid=(NP // _BLK,),
        in_specs=[
            pl.BlockSpec((NC, _BLK, H), lambda i: (0, i, 0)),
            pl.BlockSpec((NC, _BLK, H), lambda i: (0, i, 0)),
            pl.BlockSpec((NC, _BLK, 16), lambda i: (0, i, 0)),
            pl.BlockSpec((1, D), lambda i: (0, 0)),
        ],
        out_specs=pl.BlockSpec((_BLK, D), lambda i: (i, 0)),
        out_shape=jax.ShapeDtypeStruct((NP, D), jnp.float32),
    )(parts, hp, deg2, b)


def kernel(x, edge_index, W1, b1, W2, b2):
    e = edge_index.shape[1]
    quant = NS * B * _NBUF
    ep = -(-e // quant) * quant
    pad = ep - e
    padv = jnp.full((pad,), N, jnp.int32)
    src = jnp.concatenate([edge_index[0], padv])
    dst = jnp.concatenate([edge_index[1], padv])
    src2 = jnp.concatenate([src, src + NP])
    src2d = src2.reshape(-1, B)
    dst2d = dst.reshape(-1, B)
    xp = jnp.pad(x, ((0, NP - N), (0, 0)))
    ones_rows = jnp.ones((B, 16), jnp.float32)
    z16 = jnp.zeros((RPT, 16), jnp.float32)
    zrows = jnp.zeros((B, H), jnp.float32)

    deg2 = _sc_degree(dst, ones_rows, z16, ep)
    h1p = _tc_prescale_matmul(deg2, xp, W1)
    p1 = _sc_aggregate(h1p.reshape(NC * NP, H), src2d, dst2d, zrows, ep)
    h2p = _tc_post_matmul(p1, h1p, deg2, b1.reshape(1, D), W2)
    p2 = _sc_aggregate(h2p.reshape(NC * NP, H), src2d, dst2d, zrows, ep)
    out = _tc_post_final(p2, h2p, deg2, b2.reshape(1, D))
    return out[:N]

# --- scband reference (transcript-rebuilt; emitter-appended) ---
"""Pipeline reference for scband-gcnmodel-41858751267050 (READ-ONLY COPY).

The authoritative reference and input builder live on the scoring server;
editing this copy changes nothing except your own understanding.
"""

import jax, jax.numpy as jnp
import numpy as np

N = 10000
E = 320000
D_IN = 128
D_H = 128
D_OUT = 128


def setup_inputs(seed: int = 0) -> dict:
    key = jax.random.key(seed)
    k1, k3, k4 = jax.random.split(key, 3)
    x = jax.random.normal(k1, (N, D_IN), dtype=jnp.float32)
    rng = np.random.default_rng(0)
    edge_index = jnp.asarray(rng.integers(0, N, size=(2, E)), dtype=jnp.int32)
    W1 = jax.random.normal(k3, (D_IN, D_H), dtype=jnp.float32) * (1.0 / np.sqrt(D_IN))
    b1 = jnp.zeros((D_H,), dtype=jnp.float32)
    W2 = jax.random.normal(k4, (D_H, D_OUT), dtype=jnp.float32) * (1.0 / np.sqrt(D_H))
    b2 = jnp.zeros((D_OUT,), dtype=jnp.float32)
    return {"x": x, "edge_index": edge_index, "W1": W1, "b1": b1, "W2": W2, "b2": b2}


def _gcn_conv(x, edge_index, W, b):
    num_nodes = x.shape[0]
    loop = jnp.arange(num_nodes, dtype=edge_index.dtype)
    src = jnp.concatenate([edge_index[0], loop])
    dst = jnp.concatenate([edge_index[1], loop])
    deg = jnp.zeros((num_nodes,), dtype=x.dtype).at[dst].add(1.0)
    deg_inv_sqrt = jnp.where(deg > 0, deg ** -0.5, 0.0)
    norm = deg_inv_sqrt[src] * deg_inv_sqrt[dst]
    h = x @ W
    msg = jnp.take(h, src, axis=0) * norm[:, None]
    out = jnp.zeros((num_nodes, W.shape[1]), dtype=x.dtype).at[dst].add(msg)
    return out + b


def _instance_norm(x, eps=1e-5):
    # InstanceNorm1d on a 2D (C, L) input: normalize each row over feature dim,
    # biased variance, affine=False by default.
    m = jnp.mean(x, axis=1, keepdims=True)
    v = jnp.mean((x - m) ** 2, axis=1, keepdims=True)
    return (x - m) / jnp.sqrt(v + eps)


def reference(x, edge_index, W1, b1, W2, b2):
    # edge filtering mask in the torch code is a no-op here: all indices < N by construction
    h = _gcn_conv(x, edge_index, W1, b1)
    h = _instance_norm(h)
    h = jax.nn.relu(h)
    # dropout is identity in eval mode
    h = _gcn_conv(h, edge_index, W2, b2)
    h = _instance_norm(h)
    h = jax.nn.relu(h)
    return h

if __name__ == "__main__":
    import jax
    _d = setup_inputs()
    print(jax.jit(kernel)(*tuple(_d.values())))

</pallas_src>

<mosaic_0001>
#map = affine_map<(d0, d1) -> (0, 0)>
module attributes {stable_mosaic.version = 14 : i64} {
  func.func @agg_kernel(%arg0: i32, %arg1: i32, %arg2: memref<20480x64xf32, #tpu.memory_space<hbm>>, %arg3: memref<5120x128xi32, #tpu.memory_space<hbm>>, %arg4: memref<2560x128xi32, #tpu.memory_space<hbm>>, %arg5: memref<128x64xf32, #tpu.memory_space<hbm>>, %arg6: memref<20480x64xf32, #tpu.memory_space<hbm>>, %arg7: memref<160x128xi32, #tpu.memory_space<vmem>>, %arg8: memref<160x128xi32, #tpu.memory_space<vmem>>, %arg9: memref<128x64xf32, #tpu.memory_space<vmem>>, %arg10: memref<128x64xf32, #tpu.memory_space<vmem>>, %arg11: memref<128x64xf32, #tpu.memory_space<vmem>>, %arg12: memref<128x64xf32, #tpu.memory_space<vmem>>, %arg13: memref<10240x64xf32, #tpu.memory_space<vmem_shared>>, %arg14: memref<!tpu.dma_semaphore, #tpu.memory_space<semaphore_mem>>, %arg15: memref<!tpu.dma_semaphore, #tpu.memory_space<semaphore_mem>>, %arg16: memref<!tpu.dma_semaphore, #tpu.memory_space<semaphore_mem>>, %arg17: memref<!tpu.dma_semaphore, #tpu.memory_space<semaphore_mem>>, %arg18: memref<!tpu.dma_semaphore, #tpu.memory_space<semaphore_mem>>, %arg19: memref<!tpu.dma_semaphore, #tpu.memory_space<semaphore_mem>>, %arg20: memref<!tpu.dma_semaphore, #tpu.memory_space<semaphore_mem>>, %arg21: memref<!tpu.dma_semaphore, #tpu.memory_space<semaphore_mem>>) attributes {dimension_semantics = [#tpu.dimension_semantics<core_parallel>, #tpu.dimension_semantics<subcore_parallel>], iteration_bounds = array<i64: 2, 16>, scalar_prefetch = 0 : i64, scratch_operands = 15 : i64, tpu.core_type = #tpu.core_type<sc_vector_subcore>, window_params = [{transform_indices = #map}, {transform_indices = #map}, {transform_indices = #map}, {transform_indices = #map}, {transform_indices = #map}]} {
    %mul3A = arith.constant 16 : i32
    %mul3A_0 = arith.muli %arg0, %mul3A : i32
    %add3A = arith.addi %mul3A_0, %arg1 : i32
    %mul3A_1 = arith.constant 160 : i32
    %mul3A_2 = arith.muli %add3A, %mul3A_1 : i32
    "tpu.region"() ({
      %run_scoped3A = tpu.sem_alloc : memref<!tpu.dma_semaphore, #tpu.memory_space<semaphore_mem>>
      %dma_start3A = arith.constant 0 : i32
      %dma_start3A_26 = tpu.memref_slice %arg3[%mul3A_2, %dma_start3A] : memref<5120x128xi32, #tpu.memory_space<hbm>> -> memref<160x128xi32, #tpu.memory_space<hbm>>
      %dma_start3A_27 = arith.constant 0 : i32
      %dma_start3A_28 = tpu.memref_slice %arg3[%mul3A_2, %dma_start3A_27] : memref<5120x128xi32, #tpu.memory_space<hbm>> -> memref<160x128xi32, #tpu.memory_space<hbm>>
      tpu.enqueue_dma source(%dma_start3A_28 : memref<160x128xi32, #tpu.memory_space<hbm>>) target(%arg7 : memref<160x128xi32, #tpu.memory_space<vmem>>) target_semaphore(%run_scoped3A : memref<!tpu.dma_semaphore, #tpu.memory_space<semaphore_mem>>)
      %dma_wait3A = arith.constant 0 : i32
      %dma_wait3A_29 = tpu.memref_slice %arg3[%mul3A_2, %dma_wait3A] : memref<5120x128xi32, #tpu.memory_space<hbm>> -> memref<160x128xi32, #tpu.memory_space<hbm>>
      %dma_wait3A_30 = arith.constant 0 : i32
      %dma_wait3A_31 = tpu.memref_slice %arg3[%mul3A_2, %dma_wait3A_30] : memref<5120x128xi32, #tpu.memory_space<hbm>> -> memref<160x128xi32, #tpu.memory_space<hbm>>
      tpu.wait_dma2 semaphore(%run_scoped3A : memref<!tpu.dma_semaphore, #tpu.memory_space<semaphore_mem>>) src(%dma_wait3A_31 : memref<160x128xi32, #tpu.memory_space<hbm>>) dst(%arg7 : memref<160x128xi32, #tpu.memory_space<vmem>>)
      tpu.yield
    }) : () -> ()
    %mul3A_3 = arith.constant 160 : i32
    %mul3A_4 = arith.muli %arg1, %mul3A_3 : i32
    "tpu.region"() ({
      %run_scoped3A = tpu.sem_alloc : memref<!tpu.dma_semaphore, #tpu.memory_space<semaphore_mem>>
      %dma_start3A = arith.constant 0 : i32
      %dma_start3A_26 = tpu.memref_slice %arg4[%mul3A_4, %dma_start3A] : memref<2560x128xi32, #tpu.memory_space<hbm>> -> memref<160x128xi32, #tpu.memory_space<hbm>>
      %dma_start3A_27 = arith.constant 0 : i32
      %dma_start3A_28 = tpu.memref_slice %arg4[%mul3A_4, %dma_start3A_27] : memref<2560x128xi32, #tpu.memory_space<hbm>> -> memref<160x128xi32, #tpu.memory_space<hbm>>
      tpu.enqueue_dma source(%dma_start3A_28 : memref<160x128xi32, #tpu.memory_space<hbm>>) target(%arg8 : memref<160x128xi32, #tpu.memory_space<vmem>>) target_semaphore(%run_scoped3A : memref<!tpu.dma_semaphore, #tpu.memory_space<semaphore_mem>>)
      %dma_wait3A = arith.constant 0 : i32
      %dma_wait3A_29 = tpu.memref_slice %arg4[%mul3A_4, %dma_wait3A] : memref<2560x128xi32, #tpu.memory_space<hbm>> -> memref<160x128xi32, #tpu.memory_space<hbm>>
      %dma_wait3A_30 = arith.constant 0 : i32
      %dma_wait3A_31 = tpu.memref_slice %arg4[%mul3A_4, %dma_wait3A_30] : memref<2560x128xi32, #tpu.memory_space<hbm>> -> memref<160x128xi32, #tpu.memory_space<hbm>>
      tpu.wait_dma2 semaphore(%run_scoped3A : memref<!tpu.dma_semaphore, #tpu.memory_space<semaphore_mem>>) src(%dma_wait3A_31 : memref<160x128xi32, #tpu.memory_space<hbm>>) dst(%arg8 : memref<160x128xi32, #tpu.memory_space<vmem>>)
      tpu.yield
    }) : () -> ()
    "tpu.region"() ({
      %run_scoped3A = tpu.sem_alloc : memref<!tpu.dma_semaphore, #tpu.memory_space<semaphore_mem>>
      tpu.enqueue_dma source(%arg5 : memref<128x64xf32, #tpu.memory_space<hbm>>) target(%arg9 : memref<128x64xf32, #tpu.memory_space<vmem>>) target_semaphore(%run_scoped3A : memref<!tpu.dma_semaphore, #tpu.memory_space<semaphore_mem>>)
      tpu.wait_dma2 semaphore(%run_scoped3A : memref<!tpu.dma_semaphore, #tpu.memory_space<semaphore_mem>>) src(%arg5 : memref<128x64xf32, #tpu.memory_space<hbm>>) dst(%arg9 : memref<128x64xf32, #tpu.memory_space<vmem>>)
      tpu.yield
    }) : () -> ()
    %scan3A = arith.constant 0 : i32
    %scan3A_5 = arith.constant 0 : i32
    %scan3A_6 = arith.constant 5 : i32
    %scan3A_7 = arith.addi %scan3A_5, %scan3A_6 : i32
    %scan3A_8 = arith.constant 1 : i32
    %scan3A_9 = scf.for %scan3A_26 = %scan3A_5 to %scan3A_7 step %scan3A_8 iter_args(%scan3A_27 = %scan3A) -> (i32)  : i32 {
      %mul3A_28 = arith.constant 640 : i32
      %mul3A_29 = arith.muli %arg1, %mul3A_28 : i32
      %mul3A_30 = arith.constant 128 : i32
      %mul3A_31 = arith.muli %scan3A_26, %mul3A_30 : i32
      %add3A_32 = arith.addi %mul3A_29, %mul3A_31 : i32
      "tpu.region"() ({
        %run_scoped3A = tpu.sem_alloc : memref<!tpu.dma_semaphore, #tpu.memory_space<semaphore_mem>>
        %dma_start3A = arith.constant 0 : i32
        %dma_start3A_34 = tpu.memref_slice %arg13[%add3A_32, %dma_start3A] : memref<10240x64xf32, #tpu.memory_space<vmem_shared>> -> memref<128x64xf32, #tpu.memory_space<vmem_shared>>
        %dma_start3A_35 = arith.constant 0 : i32
        %dma_start3A_36 = tpu.memref_slice %arg13[%add3A_32, %dma_start3A_35] : memref<10240x64xf32, #tpu.memory_space<vmem_shared>> -> memref<128x64xf32, #tpu.memory_space<vmem_shared>>
        tpu.enqueue_dma source(%arg9 : memref<128x64xf32, #tpu.memory_space<vmem>>) target(%dma_start3A_36 : memref<128x64xf32, #tpu.memory_space<vmem_shared>>) target_semaphore(%run_scoped3A : memref<!tpu.dma_semaphore, #tpu.memory_space<semaphore_mem>>)
        %dma_wait3A = arith.constant 0 : i32
        %dma_wait3A_37 = tpu.memref_slice %arg13[%add3A_32, %dma_wait3A] : memref<10240x64xf32, #tpu.memory_space<vmem_shared>> -> memref<128x64xf32, #tpu.memory_space<vmem_shared>>
        %dma_wait3A_38 = arith.constant 0 : i32
        %dma_wait3A_39 = tpu.memref_slice %arg13[%add3A_32, %dma_wait3A_38] : memref<10240x64xf32, #tpu.memory_space<vmem_shared>> -> memref<128x64xf32, #tpu.memory_space<vmem_shared>>
        tpu.wait_dma2 semaphore(%run_scoped3A : memref<!tpu.dma_semaphore, #tpu.memory_space<semaphore_mem>>) src(%arg9 : memref<128x64xf32, #tpu.memory_space<vmem>>) dst(%dma_wait3A_39 : memref<128x64xf32, #tpu.memory_space<vmem_shared>>)
        tpu.yield
      }) : () -> ()
      %scan3A_33 = arith.constant 0 : i32
      scf.yield %scan3A_33 : i32
    }
    %scan3A_10 = arith.constant 5 : i32
    %barrier3A = arith.constant 0 : index
    tpu.barrier barrier_id(%barrier3A)
    %scan3A_11 = arith.constant 0 : i32
    %scan3A_12 = arith.constant 0 : i32
    %scan3A_13 = arith.constant 40 : i32
    %scan3A_14 = arith.addi %scan3A_12, %scan3A_13 : i32
    %scan3A_15 = arith.constant 1 : i32
    %scan3A_16 = scf.for %scan3A_26 = %scan3A_12 to %scan3A_14 step %scan3A_15 iter_args(%scan3A_27 = %scan3A_11) -> (i32)  : i32 {
      %mul3A_28 = arith.constant 4 : i32
      %mul3A_29 = arith.muli %scan3A_26, %mul3A_28 : i32
      %add3A_30 = arith.constant 0 : i32
      %add3A_31 = arith.addi %mul3A_29, %add3A_30 : i32
      %dma_start3A = arith.constant 0 : i32
      %dma_start3A_32 = tpu.memref_slice %arg7[%add3A_31, %dma_start3A] : memref<160x128xi32, #tpu.memory_space<vmem>> -> memref<1x128xi32, #tpu.memory_space<vmem>>
      %dma_start3A_33 = tpu.memref_squeeze %dma_start3A_32 : memref<1x128xi32, #tpu.memory_space<vmem>> -> memref<128xi32, #tpu.memory_space<vmem>>
      %dma_start3A_34 = arith.constant 0 : i32
      %dma_start3A_35 = arith.constant 0 : i32
      %dma_start3A_36 = tpu.memref_slice %arg2[%dma_start3A_34, %dma_start3A_35] : memref<20480x64xf32, #tpu.memory_space<hbm>> -> memref<20480x64xf32, #tpu.memory_space<hbm>>
      tpu.enqueue_indirect_dma source(%dma_start3A_36 : memref<20480x64xf32, #tpu.memory_space<hbm>>) target(%arg9 : memref<128x64xf32, #tpu.memory_space<vmem>>) offsets(%dma_start3A_33 : memref<128xi32, #tpu.memory_space<vmem>>) semaphore(%arg14 : memref<!tpu.dma_semaphore, #tpu.memory_space<semaphore_mem>>)
      %add3A_37 = arith.constant 1 : i32
      %add3A_38 = arith.addi %mul3A_29, %add3A_37 : i32
      %dma_start3A_39 = arith.constant 0 : i32
      %dma_start3A_40 = tpu.memref_slice %arg7[%add3A_38, %dma_start3A_39] : memref<160x128xi32, #tpu.memory_space<vmem>> -> memref<1x128xi32, #tpu.memory_space<vmem>>
      %dma_start3A_41 = tpu.memref_squeeze %dma_start3A_40 : memref<1x128xi32, #tpu.memory_space<vmem>> -> memref<128xi32, #tpu.memory_space<vmem>>
      %dma_start3A_42 = arith.constant 0 : i32
      %dma_start3A_43 = arith.constant 0 : i32
      %dma_start3A_44 = tpu.memref_slice %arg2[%dma_start3A_42, %dma_start3A_43] : memref<20480x64xf32, #tpu.memory_space<hbm>> -> memref<20480x64xf32, #tpu.memory_space<hbm>>
      tpu.enqueue_indirect_dma source(%dma_start3A_44 : memref<20480x64xf32, #tpu.memory_space<hbm>>) target(%arg10 : memref<128x64xf32, #tpu.memory_space<vmem>>) offsets(%dma_start3A_41 : memref<128xi32, #tpu.memory_space<vmem>>) semaphore(%arg15 : memref<!tpu.dma_semaphore, #tpu.memory_space<semaphore_mem>>)
      %add3A_45 = arith.constant 2 : i32
      %add3A_46 = arith.addi %mul3A_29, %add3A_45 : i32
      %dma_start3A_47 = arith.constant 0 : i32
      %dma_start3A_48 = tpu.memref_slice %arg7[%add3A_46, %dma_start3A_47] : memref<160x128xi32, #tpu.memory_space<vmem>> -> memref<1x128xi32, #tpu.memory_space<vmem>>
      %dma_start3A_49 = tpu.memref_squeeze %dma_start3A_48 : memref<1x128xi32, #tpu.memory_space<vmem>> -> memref<128xi32, #tpu.memory_space<vmem>>
      %dma_start3A_50 = arith.constant 0 : i32
      %dma_start3A_51 = arith.constant 0 : i32
      %dma_start3A_52 = tpu.memref_slice %arg2[%dma_start3A_50, %dma_start3A_51] : memref<20480x64xf32, #tpu.memory_space<hbm>> -> memref<20480x64xf32, #tpu.memory_space<hbm>>
      tpu.enqueue_indirect_dma source(%dma_start3A_52 : memref<20480x64xf32, #tpu.memory_space<hbm>>) target(%arg11 : memref<128x64xf32, #tpu.memory_space<vmem>>) offsets(%dma_start3A_49 : memref<128xi32, #tpu.memory_space<vmem>>) semaphore(%arg16 : memref<!tpu.dma_semaphore, #tpu.memory_space<semaphore_mem>>)
      %add3A_53 = arith.constant 3 : i32
      %add3A_54 = arith.addi %mul3A_29, %add3A_53 : i32
      %dma_start3A_55 = arith.constant 0 : i32
      %dma_start3A_56 = tpu.memref_slice %arg7[%add3A_54, %dma_start3A_55] : memref<160x128xi32, #tpu.memory_space<vmem>> -> memref<1x128xi32, #tpu.memory_space<vmem>>
      %dma_start3A_57 = tpu.memref_squeeze %dma_start3A_56 : memref<1x128xi32, #tpu.memory_space<vmem>> -> memref<128xi32, #tpu.memory_space<vmem>>
      %dma_start3A_58 = arith.constant 0 : i32
      %dma_start3A_59 = arith.constant 0 : i32
      %dma_start3A_60 = tpu.memref_slice %arg2[%dma_start3A_58, %dma_start3A_59] : memref<20480x64xf32, #tpu.memory_space<hbm>> -> memref<20480x64xf32, #tpu.memory_space<hbm>>
      tpu.enqueue_indirect_dma source(%dma_start3A_60 : memref<20480x64xf32, #tpu.memory_space<hbm>>) target(%arg12 : memref<128x64xf32, #tpu.memory_space<vmem>>) offsets(%dma_start3A_57 : memref<128xi32, #tpu.memory_space<vmem>>) semaphore(%arg17 : memref<!tpu.dma_semaphore, #tpu.memory_space<semaphore_mem>>)
      %dma_wait3A = arith.constant 0 : i32
      %dma_wait3A_61 = tpu.memref_slice %arg7[%add3A_31, %dma_wait3A] : memref<160x128xi32, #tpu.memory_space<vmem>> -> memref<1x128xi32, #tpu.memory_space<vmem>>
      %dma_wait3A_62 = tpu.memref_squeeze %dma_wait3A_61 : memref<1x128xi32, #tpu.memory_space<vmem>> -> memref<128xi32, #tpu.memory_space<vmem>>
      %dma_wait3A_63 = arith.constant 0 : i32
      %dma_wait3A_64 = arith.constant 0 : i32
      %dma_wait3A_65 = tpu.memref_slice %arg2[%dma_wait3A_63, %dma_wait3A_64] : memref<20480x64xf32, #tpu.memory_space<hbm>> -> memref<20480x64xf32, #tpu.memory_space<hbm>>
      tpu.wait_indirect_dma semaphore(%arg14 : memref<!tpu.dma_semaphore, #tpu.memory_space<semaphore_mem>>) src(%dma_wait3A_65 : memref<20480x64xf32, #tpu.memory_space<hbm>>) dst(%arg9 : memref<128x64xf32, #tpu.memory_space<vmem>>)
      %add3A_66 = arith.constant 0 : i32
      %add3A_67 = arith.addi %mul3A_29, %add3A_66 : i32
      %dma_start3A_68 = arith.constant 0 : i32
      %dma_start3A_69 = tpu.memref_slice %arg8[%add3A_67, %dma_start3A_68] : memref<160x128xi32, #tpu.memory_space<vmem>> -> memref<1x128xi32, #tpu.memory_space<vmem>>
      %dma_start3A_70 = tpu.memref_squeeze %dma_start3A_69 : memref<1x128xi32, #tpu.memory_space<vmem>> -> memref<128xi32, #tpu.memory_space<vmem>>
      %dma_start3A_71 = arith.constant 0 : i32
      %dma_start3A_72 = arith.constant 0 : i32
      %dma_start3A_73 = tpu.memref_slice %arg13[%dma_start3A_71, %dma_start3A_72] : memref<10240x64xf32, #tpu.memory_space<vmem_shared>> -> memref<10240x64xf32, #tpu.memory_space<vmem_shared>>
      tpu.enqueue_indirect_dma source(%arg9 : memref<128x64xf32, #tpu.memory_space<vmem>>) target(%dma_start3A_73 : memref<10240x64xf32, #tpu.memory_space<vmem_shared>>) offsets(%dma_start3A_70 : memref<128xi32, #tpu.memory_space<vmem>>) semaphore(%arg18 : memref<!tpu.dma_semaphore, #tpu.memory_space<semaphore_mem>>) {add = true}
      %dma_wait3A_74 = arith.constant 0 : i32
      %dma_wait3A_75 = tpu.memref_slice %arg7[%add3A_38, %dma_wait3A_74] : memref<160x128xi32, #tpu.memory_space<vmem>> -> memref<1x128xi32, #tpu.memory_space<vmem>>
      %dma_wait3A_76 = tpu.memref_squeeze %dma_wait3A_75 : memref<1x128xi32, #tpu.memory_space<vmem>> -> memref<128xi32, #tpu.memory_space<vmem>>
      %dma_wait3A_77 = arith.constant 0 : i32
      %dma_wait3A_78 = arith.constant 0 : i32
      %dma_wait3A_79 = tpu.memref_slice %arg2[%dma_wait3A_77, %dma_wait3A_78] : memref<20480x64xf32, #tpu.memory_space<hbm>> -> memref<20480x64xf32, #tpu.memory_space<hbm>>
      tpu.wait_indirect_dma semaphore(%arg15 : memref<!tpu.dma_semaphore, #tpu.memory_space<semaphore_mem>>) src(%dma_wait3A_79 : memref<20480x64xf32, #tpu.memory_space<hbm>>) dst(%arg10 : memref<128x64xf32, #tpu.memory_space<vmem>>)
      %add3A_80 = arith.constant 1 : i32
      %add3A_81 = arith.addi %mul3A_29, %add3A_80 : i32
      %dma_start3A_82 = arith.constant 0 : i32
      %dma_start3A_83 = tpu.memref_slice %arg8[%add3A_81, %dma_start3A_82] : memref<160x128xi32, #tpu.memory_space<vmem>> -> memref<1x128xi32, #tpu.memory_space<vmem>>
      %dma_start3A_84 = tpu.memref_squeeze %dma_start3A_83 : memref<1x128xi32, #tpu.memory_space<vmem>> -> memref<128xi32, #tpu.memory_space<vmem>>
      %dma_start3A_85 = arith.constant 0 : i32
      %dma_start3A_86 = arith.constant 0 : i32
      %dma_start3A_87 = tpu.memref_slice %arg13[%dma_start3A_85, %dma_start3A_86] : memref<10240x64xf32, #tpu.memory_space<vmem_shared>> -> memref<10240x64xf32, #tpu.memory_space<vmem_shared>>
      tpu.enqueue_indirect_dma source(%arg10 : memref<128x64xf32, #tpu.memory_space<vmem>>) target(%dma_start3A_87 : memref<10240x64xf32, #tpu.memory_space<vmem_shared>>) offsets(%dma_start3A_84 : memref<128xi32, #tpu.memory_space<vmem>>) semaphore(%arg19 : memref<!tpu.dma_semaphore, #tpu.memory_space<semaphore_mem>>) {add = true}
      %dma_wait3A_88 = arith.constant 0 : i32
      %dma_wait3A_89 = tpu.memref_slice %arg7[%add3A_46, %dma_wait3A_88] : memref<160x128xi32, #tpu.memory_space<vmem>> -> memref<1x128xi32, #tpu.memory_space<vmem>>
      %dma_wait3A_90 = tpu.memref_squeeze %dma_wait3A_89 : memref<1x128xi32, #tpu.memory_space<vmem>> -> memref<128xi32, #tpu.memory_space<vmem>>
      %dma_wait3A_91 = arith.constant 0 : i32
      %dma_wait3A_92 = arith.constant 0 : i32
      %dma_wait3A_93 = tpu.memref_slice %arg2[%dma_wait3A_91, %dma_wait3A_92] : memref<20480x64xf32, #tpu.memory_space<hbm>> -> memref<20480x64xf32, #tpu.memory_space<hbm>>
      tpu.wait_indirect_dma semaphore(%arg16 : memref<!tpu.dma_semaphore, #tpu.memory_space<semaphore_mem>>) src(%dma_wait3A_93 : memref<20480x64xf32, #tpu.memory_space<hbm>>) dst(%arg11 : memref<128x64xf32, #tpu.memory_space<vmem>>)
      %add3A_94 = arith.constant 2 : i32
      %add3A_95 = arith.addi %mul3A_29, %add3A_94 : i32
      %dma_start3A_96 = arith.constant 0 : i32
      %dma_start3A_97 = tpu.memref_slice %arg8[%add3A_95, %dma_start3A_96] : memref<160x128xi32, #tpu.memory_space<vmem>> -> memref<1x128xi32, #tpu.memory_space<vmem>>
      %dma_start3A_98 = tpu.memref_squeeze %dma_start3A_97 : memref<1x128xi32, #tpu.memory_space<vmem>> -> memref<128xi32, #tpu.memory_space<vmem>>
      %dma_start3A_99 = arith.constant 0 : i32
      %dma_start3A_100 = arith.constant 0 : i32
      %dma_start3A_101 = tpu.memref_slice %arg13[%dma_start3A_99, %dma_start3A_100] : memref<10240x64xf32, #tpu.memory_space<vmem_shared>> -> memref<10240x64xf32, #tpu.memory_space<vmem_shared>>
      tpu.enqueue_indirect_dma source(%arg11 : memref<128x64xf32, #tpu.memory_space<vmem>>) target(%dma_start3A_101 : memref<10240x64xf32, #tpu.memory_space<vmem_shared>>) offsets(%dma_start3A_98 : memref<128xi32, #tpu.memory_space<vmem>>) semaphore(%arg20 : memref<!tpu.dma_semaphore, #tpu.memory_space<semaphore_mem>>) {add = true}
      %dma_wait3A_102 = arith.constant 0 : i32
      %dma_wait3A_103 = tpu.memref_slice %arg7[%add3A_54, %dma_wait3A_102] : memref<160x128xi32, #tpu.memory_space<vmem>> -> memref<1x128xi32, #tpu.memory_space<vmem>>
      %dma_wait3A_104 = tpu.memref_squeeze %dma_wait3A_103 : memref<1x128xi32, #tpu.memory_space<vmem>> -> memref<128xi32, #tpu.memory_space<vmem>>
      %dma_wait3A_105 = arith.constant 0 : i32
      %dma_wait3A_106 = arith.constant 0 : i32
      %dma_wait3A_107 = tpu.memref_slice %arg2[%dma_wait3A_105, %dma_wait3A_106] : memref<20480x64xf32, #tpu.memory_space<hbm>> -> memref<20480x64xf32, #tpu.memory_space<hbm>>
      tpu.wait_indirect_dma semaphore(%arg17 : memref<!tpu.dma_semaphore, #tpu.memory_space<semaphore_mem>>) src(%dma_wait3A_107 : memref<20480x64xf32, #tpu.memory_space<hbm>>) dst(%arg12 : memref<128x64xf32, #tpu.memory_space<vmem>>)
      %add3A_108 = arith.constant 3 : i32
      %add3A_109 = arith.addi %mul3A_29, %add3A_108 : i32
      %dma_start3A_110 = arith.constant 0 : i32
      %dma_start3A_111 = tpu.memref_slice %arg8[%add3A_109, %dma_start3A_110] : memref<160x128xi32, #tpu.memory_space<vmem>> -> memref<1x128xi32, #tpu.memory_space<vmem>>
      %dma_start3A_112 = tpu.memref_squeeze %dma_start3A_111 : memref<1x128xi32, #tpu.memory_space<vmem>> -> memref<128xi32, #tpu.memory_space<vmem>>
      %dma_start3A_113 = arith.constant 0 : i32
      %dma_start3A_114 = arith.constant 0 : i32
      %dma_start3A_115 = tpu.memref_slice %arg13[%dma_start3A_113, %dma_start3A_114] : memref<10240x64xf32, #tpu.memory_space<vmem_shared>> -> memref<10240x64xf32, #tpu.memory_space<vmem_shared>>
      tpu.enqueue_indirect_dma source(%arg12 : memref<128x64xf32, #tpu.memory_space<vmem>>) target(%dma_start3A_115 : memref<10240x64xf32, #tpu.memory_space<vmem_shared>>) offsets(%dma_start3A_112 : memref<128xi32, #tpu.memory_space<vmem>>) semaphore(%arg21 : memref<!tpu.dma_semaphore, #tpu.memory_space<semaphore_mem>>) {add = true}
      %dma_wait3A_116 = arith.constant 0 : i32
      %dma_wait3A_117 = tpu.memref_slice %arg8[%add3A_67, %dma_wait3A_116] : memref<160x128xi32, #tpu.memory_space<vmem>> -> memref<1x128xi32, #tpu.memory_space<vmem>>
      %dma_wait3A_118 = tpu.memref_squeeze %dma_wait3A_117 : memref<1x128xi32, #tpu.memory_space<vmem>> -> memref<128xi32, #tpu.memory_space<vmem>>
      %dma_wait3A_119 = arith.constant 0 : i32
      %dma_wait3A_120 = arith.constant 0 : i32
      %dma_wait3A_121 = tpu.memref_slice %arg13[%dma_wait3A_119, %dma_wait3A_120] : memref<10240x64xf32, #tpu.memory_space<vmem_shared>> -> memref<10240x64xf32, #tpu.memory_space<vmem_shared>>
      tpu.wait_indirect_dma semaphore(%arg18 : memref<!tpu.dma_semaphore, #tpu.memory_space<semaphore_mem>>) src(%arg9 : memref<128x64xf32, #tpu.memory_space<vmem>>) dst(%dma_wait3A_121 : memref<10240x64xf32, #tpu.memory_space<vmem_shared>>)
      %dma_wait3A_122 = arith.constant 0 : i32
      %dma_wait3A_123 = tpu.memref_slice %arg8[%add3A_81, %dma_wait3A_122] : memref<160x128xi32, #tpu.memory_space<vmem>> -> memref<1x128xi32, #tpu.memory_space<vmem>>
      %dma_wait3A_124 = tpu.memref_squeeze %dma_wait3A_123 : memref<1x128xi32, #tpu.memory_space<vmem>> -> memref<128xi32, #tpu.memory_space<vmem>>
      %dma_wait3A_125 = arith.constant 0 : i32
      %dma_wait3A_126 = arith.constant 0 : i32
      %dma_wait3A_127 = tpu.memref_slice %arg13[%dma_wait3A_125, %dma_wait3A_126] : memref<10240x64xf32, #tpu.memory_space<vmem_shared>> -> memref<10240x64xf32, #tpu.memory_space<vmem_shared>>
      tpu.wait_indirect_dma semaphore(%arg19 : memref<!tpu.dma_semaphore, #tpu.memory_space<semaphore_mem>>) src(%arg10 : memref<128x64xf32, #tpu.memory_space<vmem>>) dst(%dma_wait3A_127 : memref<10240x64xf32, #tpu.memory_space<vmem_shared>>)
      %dma_wait3A_128 = arith.constant 0 : i32
      %dma_wait3A_129 = tpu.memref_slice %arg8[%add3A_95, %dma_wait3A_128] : memref<160x128xi32, #tpu.memory_space<vmem>> -> memref<1x128xi32, #tpu.memory_space<vmem>>
      %dma_wait3A_130 = tpu.memref_squeeze %dma_wait3A_129 : memref<1x128xi32, #tpu.memory_space<vmem>> -> memref<128xi32, #tpu.memory_space<vmem>>
      %dma_wait3A_131 = arith.constant 0 : i32
      %dma_wait3A_132 = arith.constant 0 : i32
      %dma_wait3A_133 = tpu.memref_slice %arg13[%dma_wait3A_131, %dma_wait3A_132] : memref<10240x64xf32, #tpu.memory_space<vmem_shared>> -> memref<10240x64xf32, #tpu.memory_space<vmem_shared>>
      tpu.wait_indirect_dma semaphore(%arg20 : memref<!tpu.dma_semaphore, #tpu.memory_space<semaphore_mem>>) src(%arg11 : memref<128x64xf32, #tpu.memory_space<vmem>>) dst(%dma_wait3A_133 : memref<10240x64xf32, #tpu.memory_space<vmem_shared>>)
      %dma_wait3A_134 = arith.constant 0 : i32
      %dma_wait3A_135 = tpu.memref_slice %arg8[%add3A_109, %dma_wait3A_134] : memref<160x128xi32, #tpu.memory_space<vmem>> -> memref<1x128xi32, #tpu.memory_space<vmem>>
      %dma_wait3A_136 = tpu.memref_squeeze %dma_wait3A_135 : memref<1x128xi32, #tpu.memory_space<vmem>> -> memref<128xi32, #tpu.memory_space<vmem>>
      %dma_wait3A_137 = arith.constant 0 : i32
      %dma_wait3A_138 = arith.constant 0 : i32
      %dma_wait3A_139 = tpu.memref_slice %arg13[%dma_wait3A_137, %dma_wait3A_138] : memref<10240x64xf32, #tpu.memory_space<vmem_shared>> -> memref<10240x64xf32, #tpu.memory_space<vmem_shared>>
      tpu.wait_indirect_dma semaphore(%arg21 : memref<!tpu.dma_semaphore, #tpu.memory_space<semaphore_mem>>) src(%arg12 : memref<128x64xf32, #tpu.memory_space<vmem>>) dst(%dma_wait3A_139 : memref<10240x64xf32, #tpu.memory_space<vmem_shared>>)
      %scan3A_140 = arith.constant 0 : i32
      scf.yield %scan3A_140 : i32
    }
    %scan3A_17 = arith.constant 40 : i32
    %barrier3A_18 = arith.constant 0 : index
    tpu.barrier barrier_id(%barrier3A_18)
    %scan3A_19 = arith.constant 0 : i32
    %scan3A_20 = arith.constant 0 : i32
    %scan3A_21 = arith.constant 5 : i32
    %scan3A_22 = arith.addi %scan3A_20, %scan3A_21 : i32
    %scan3A_23 = arith.constant 1 : i32
    %scan3A_24 = scf.for %scan3A_26 = %scan3A_20 to %scan3A_22 step %scan3A_23 iter_args(%scan3A_27 = %scan3A_19) -> (i32)  : i32 {
      %mul3A_28 = arith.constant 640 : i32
      %mul3A_29 = arith.muli %arg1, %mul3A_28 : i32
      %mul3A_30 = arith.constant 128 : i32
      %mul3A_31 = arith.muli %scan3A_26, %mul3A_30 : i32
      %add3A_32 = arith.addi %mul3A_29, %mul3A_31 : i32
      "tpu.region"() ({
        %run_scoped3A = tpu.sem_alloc : memref<!tpu.dma_semaphore, #tpu.memory_space<semaphore_mem>>
        %dma_start3A = arith.constant 0 : i32
        %dma_start3A_37 = tpu.memref_slice %arg13[%add3A_32, %dma_start3A] : memref<10240x64xf32, #tpu.memory_space<vmem_shared>> -> memref<128x64xf32, #tpu.memory_space<vmem_shared>>
        %dma_start3A_38 = arith.constant 0 : i32
        %dma_start3A_39 = tpu.memref_slice %arg13[%add3A_32, %dma_start3A_38] : memref<10240x64xf32, #tpu.memory_space<vmem_shared>> -> memref<128x64xf32, #tpu.memory_space<vmem_shared>>
        tpu.enqueue_dma source(%dma_start3A_39 : memref<128x64xf32, #tpu.memory_space<vmem_shared>>) target(%arg9 : memref<128x64xf32, #tpu.memory_space<vmem>>) target_semaphore(%run_scoped3A : memref<!tpu.dma_semaphore, #tpu.memory_space<semaphore_mem>>)
        %dma_wait3A = arith.constant 0 : i32
        %dma_wait3A_40 = tpu.memref_slice %arg13[%add3A_32, %dma_wait3A] : memref<10240x64xf32, #tpu.memory_space<vmem_shared>> -> memref<128x64xf32, #tpu.memory_space<vmem_shared>>
        %dma_wait3A_41 = arith.constant 0 : i32
        %dma_wait3A_42 = tpu.memref_slice %arg13[%add3A_32, %dma_wait3A_41] : memref<10240x64xf32, #tpu.memory_space<vmem_shared>> -> memref<128x64xf32, #tpu.memory_space<vmem_shared>>
        tpu.wait_dma2 semaphore(%run_scoped3A : memref<!tpu.dma_semaphore, #tpu.memory_space<semaphore_mem>>) src(%dma_wait3A_42 : memref<128x64xf32, #tpu.memory_space<vmem_shared>>) dst(%arg9 : memref<128x64xf32, #tpu.memory_space<vmem>>)
        tpu.yield
      }) : () -> ()
      %mul3A_33 = arith.constant 10240 : i32
      %mul3A_34 = arith.muli %arg0, %mul3A_33 : i32
      %add3A_35 = arith.addi %mul3A_34, %add3A_32 : i32
      "tpu.region"() ({
        %run_scoped3A = tpu.sem_alloc : memref<!tpu.dma_semaphore, #tpu.memory_space<semaphore_mem>>
        %dma_start3A = arith.constant 0 : i32
        %dma_start3A_37 = tpu.memref_slice %arg6[%add3A_35, %dma_start3A] : memref<20480x64xf32, #tpu.memory_space<hbm>> -> memref<128x64xf32, #tpu.memory_space<hbm>>
        %dma_start3A_38 = arith.constant 0 : i32
        %dma_start3A_39 = tpu.memref_slice %arg6[%add3A_35, %dma_start3A_38] : memref<20480x64xf32, #tpu.memory_space<hbm>> -> memref<128x64xf32, #tpu.memory_space<hbm>>
        tpu.enqueue_dma source(%arg9 : memref<128x64xf32, #tpu.memory_space<vmem>>) target(%dma_start3A_39 : memref<128x64xf32, #tpu.memory_space<hbm>>) target_semaphore(%run_scoped3A : memref<!tpu.dma_semaphore, #tpu.memory_space<semaphore_mem>>)
        %dma_wait3A = arith.constant 0 : i32
        %dma_wait3A_40 = tpu.memref_slice %arg6[%add3A_35, %dma_wait3A] : memref<20480x64xf32, #tpu.memory_space<hbm>> -> memref<128x64xf32, #tpu.memory_space<hbm>>
        %dma_wait3A_41 = arith.constant 0 : i32
        %dma_wait3A_42 = tpu.memref_slice %arg6[%add3A_35, %dma_wait3A_41] : memref<20480x64xf32, #tpu.memory_space<hbm>> -> memref<128x64xf32, #tpu.memory_space<hbm>>
        tpu.wait_dma2 semaphore(%run_scoped3A : memref<!tpu.dma_semaphore, #tpu.memory_space<semaphore_mem>>) src(%arg9 : memref<128x64xf32, #tpu.memory_space<vmem>>) dst(%dma_wait3A_42 : memref<128x64xf32, #tpu.memory_space<hbm>>)
        tpu.yield
      }) : () -> ()
      %scan3A_36 = arith.constant 0 : i32
      scf.yield %scan3A_36 : i32
    }
    %scan3A_25 = arith.constant 5 : i32
    return
  }
}

#map = affine_map<(d0, d1) -> (0)>
#map1 = affine_map<(d0, d1) -> (0, 0)>
module attributes {stable_mosaic.version = 14 : i64} {
  func.func @deg_kernel(%arg0: i32, %arg1: i32, %arg2: memref<327680xi32, #tpu.memory_space<hbm>>, %arg3: memref<128x16xf32, #tpu.memory_space<hbm>>, %arg4: memref<640x16xf32, #tpu.memory_space<hbm>>, %arg5: memref<20480x16xf32, #tpu.memory_space<hbm>>, %arg6: memref<128xi32, #tpu.memory_space<vmem>>, %arg7: memref<128x16xf32, #tpu.memory_space<vmem>>, %arg8: memref<640x16xf32, #tpu.memory_space<vmem>>, %arg9: memref<10240x16xf32, #tpu.memory_space<vmem_shared>>) attributes {dimension_semantics = [#tpu.dimension_semantics<core_parallel>, #tpu.dimension_semantics<subcore_parallel>], iteration_bounds = array<i64: 2, 16>, scalar_prefetch = 0 : i64, scratch_operands = 4 : i64, tpu.core_type = #tpu.core_type<sc_vector_subcore>, window_params = [{transform_indices = #map}, {transform_indices = #map1}, {transform_indices = #map1}, {transform_indices = #map1}]} {
    "tpu.region"() ({
      %run_scoped3A = tpu.sem_alloc : memref<!tpu.dma_semaphore, #tpu.memory_space<semaphore_mem>>
      tpu.enqueue_dma source(%arg3 : memref<128x16xf32, #tpu.memory_space<hbm>>) target(%arg7 : memref<128x16xf32, #tpu.memory_space<vmem>>) target_semaphore(%run_scoped3A : memref<!tpu.dma_semaphore, #tpu.memory_space<semaphore_mem>>)
      tpu.wait_dma2 semaphore(%run_scoped3A : memref<!tpu.dma_semaphore, #tpu.memory_space<semaphore_mem>>) src(%arg3 : memref<128x16xf32, #tpu.memory_space<hbm>>) dst(%arg7 : memref<128x16xf32, #tpu.memory_space<vmem>>)
      tpu.yield
    }) : () -> ()
    "tpu.region"() ({
      %run_scoped3A = tpu.sem_alloc : memref<!tpu.dma_semaphore, #tpu.memory_space<semaphore_mem>>
      tpu.enqueue_dma source(%arg4 : memref<640x16xf32, #tpu.memory_space<hbm>>) target(%arg8 : memref<640x16xf32, #tpu.memory_space<vmem>>) target_semaphore(%run_scoped3A : memref<!tpu.dma_semaphore, #tpu.memory_space<semaphore_mem>>)
      tpu.wait_dma2 semaphore(%run_scoped3A : memref<!tpu.dma_semaphore, #tpu.memory_space<semaphore_mem>>) src(%arg4 : memref<640x16xf32, #tpu.memory_space<hbm>>) dst(%arg8 : memref<640x16xf32, #tpu.memory_space<vmem>>)
      tpu.yield
    }) : () -> ()
    %mul3A = arith.constant 640 : i32
    %mul3A_0 = arith.muli %arg1, %mul3A : i32
    "tpu.region"() ({
      %run_scoped3A = tpu.sem_alloc : memref<!tpu.dma_semaphore, #tpu.memory_space<semaphore_mem>>
      %dma_start3A = arith.constant 0 : i32
      %dma_start3A_17 = tpu.memref_slice %arg9[%mul3A_0, %dma_start3A] : memref<10240x16xf32, #tpu.memory_space<vmem_shared>> -> memref<640x16xf32, #tpu.memory_space<vmem_shared>>
      %dma_start3A_18 = arith.constant 0 : i32
      %dma_start3A_19 = tpu.memref_slice %arg9[%mul3A_0, %dma_start3A_18] : memref<10240x16xf32, #tpu.memory_space<vmem_shared>> -> memref<640x16xf32, #tpu.memory_space<vmem_shared>>
      tpu.enqueue_dma source(%arg8 : memref<640x16xf32, #tpu.memory_space<vmem>>) target(%dma_start3A_19 : memref<640x16xf32, #tpu.memory_space<vmem_shared>>) target_semaphore(%run_scoped3A : memref<!tpu.dma_semaphore, #tpu.memory_space<semaphore_mem>>)
      %dma_wait3A = arith.constant 0 : i32
      %dma_wait3A_20 = tpu.memref_slice %arg9[%mul3A_0, %dma_wait3A] : memref<10240x16xf32, #tpu.memory_space<vmem_shared>> -> memref<640x16xf32, #tpu.memory_space<vmem_shared>>
      %dma_wait3A_21 = arith.constant 0 : i32
      %dma_wait3A_22 = tpu.memref_slice %arg9[%mul3A_0, %dma_wait3A_21] : memref<10240x16xf32, #tpu.memory_space<vmem_shared>> -> memref<640x16xf32, #tpu.memory_space<vmem_shared>>
      tpu.wait_dma2 semaphore(%run_scoped3A : memref<!tpu.dma_semaphore, #tpu.memory_space<semaphore_mem>>) src(%arg8 : memref<640x16xf32, #tpu.memory_space<vmem>>) dst(%dma_wait3A_22 : memref<640x16xf32, #tpu.memory_space<vmem_shared>>)
      tpu.yield
    }) : () -> ()
    %barrier3A = arith.constant 0 : index
    tpu.barrier barrier_id(%barrier3A)
    %mul3A_1 = arith.constant 16 : i32
    %mul3A_2 = arith.muli %arg0, %mul3A_1 : i32
    %add3A = arith.addi %mul3A_2, %arg1 : i32
    %scan3A = arith.constant 0 : i32
    %scan3A_3 = arith.constant 0 : i32
    %scan3A_4 = arith.constant 80 : i32
    %scan3A_5 = arith.addi %scan3A_3, %scan3A_4 : i32
    %scan3A_6 = arith.constant 1 : i32
    %scan3A_7 = scf.for %scan3A_17 = %scan3A_3 to %scan3A_5 step %scan3A_6 iter_args(%scan3A_18 = %scan3A) -> (i32)  : i32 {
      %mul3A_19 = arith.constant 10240 : i32
      %mul3A_20 = arith.muli %add3A, %mul3A_19 : i32
      %mul3A_21 = arith.constant 128 : i32
      %mul3A_22 = arith.muli %scan3A_17, %mul3A_21 : i32
      %add3A_23 = arith.addi %mul3A_20, %mul3A_22 : i32
      "tpu.region"() ({
        %run_scoped3A = tpu.sem_alloc : memref<!tpu.dma_semaphore, #tpu.memory_space<semaphore_mem>>
        %dma_start3A = tpu.memref_slice %arg2[%add3A_23] : memref<327680xi32, #tpu.memory_space<hbm>> -> memref<128xi32, #tpu.memory_space<hbm>>
        %dma_start3A_25 = tpu.memref_slice %arg2[%add3A_23] : memref<327680xi32, #tpu.memory_space<hbm>> -> memref<128xi32, #tpu.memory_space<hbm>>
        tpu.enqueue_dma source(%dma_start3A_25 : memref<128xi32, #tpu.memory_space<hbm>>) target(%arg6 : memref<128xi32, #tpu.memory_space<vmem>>) target_semaphore(%run_scoped3A : memref<!tpu.dma_semaphore, #tpu.memory_space<semaphore_mem>>)
        %dma_wait3A = tpu.memref_slice %arg2[%add3A_23] : memref<327680xi32, #tpu.memory_space<hbm>> -> memref<128xi32, #tpu.memory_space<hbm>>
        %dma_wait3A_26 = tpu.memref_slice %arg2[%add3A_23] : memref<327680xi32, #tpu.memory_space<hbm>> -> memref<128xi32, #tpu.memory_space<hbm>>
        tpu.wait_dma2 semaphore(%run_scoped3A : memref<!tpu.dma_semaphore, #tpu.memory_space<semaphore_mem>>) src(%dma_wait3A_26 : memref<128xi32, #tpu.memory_space<hbm>>) dst(%arg6 : memref<128xi32, #tpu.memory_space<vmem>>)
        tpu.yield
      }) : () -> ()
      "tpu.region"() ({
        %run_scoped3A = tpu.sem_alloc : memref<!tpu.dma_semaphore, #tpu.memory_space<semaphore_mem>>
        %dma_start3A = arith.constant 0 : i32
        %dma_start3A_25 = arith.constant 0 : i32
        %dma_start3A_26 = tpu.memref_slice %arg9[%dma_start3A, %dma_start3A_25] : memref<10240x16xf32, #tpu.memory_space<vmem_shared>> -> memref<10240x16xf32, #tpu.memory_space<vmem_shared>>
        tpu.enqueue_indirect_dma source(%arg7 : memref<128x16xf32, #tpu.memory_space<vmem>>) target(%dma_start3A_26 : memref<10240x16xf32, #tpu.memory_space<vmem_shared>>) offsets(%arg6 : memref<128xi32, #tpu.memory_space<vmem>>) semaphore(%run_scoped3A : memref<!tpu.dma_semaphore, #tpu.memory_space<semaphore_mem>>) {add = true}
        %dma_wait3A = arith.constant 0 : i32
        %dma_wait3A_27 = arith.constant 0 : i32
        %dma_wait3A_28 = tpu.memref_slice %arg9[%dma_wait3A, %dma_wait3A_27] : memref<10240x16xf32, #tpu.memory_space<vmem_shared>> -> memref<10240x16xf32, #tpu.memory_space<vmem_shared>>
        tpu.wait_indirect_dma semaphore(%run_scoped3A : memref<!tpu.dma_semaphore, #tpu.memory_space<semaphore_mem>>) src(%arg7 : memref<128x16xf32, #tpu.memory_space<vmem>>) dst(%dma_wait3A_28 : memref<10240x16xf32, #tpu.memory_space<vmem_shared>>)
        tpu.yield
      }) : () -> ()
      %scan3A_24 = arith.constant 0 : i32
      scf.yield %scan3A_24 : i32
    }
    %scan3A_8 = arith.constant 80 : i32
    %barrier3A_9 = arith.constant 0 : index
    tpu.barrier barrier_id(%barrier3A_9)
    %mul3A_10 = arith.constant 640 : i32
    %mul3A_11 = arith.muli %arg1, %mul3A_10 : i32
    "tpu.region"() ({
      %run_scoped3A = tpu.sem_alloc : memref<!tpu.dma_semaphore, #tpu.memory_space<semaphore_mem>>
      %dma_start3A = arith.constant 0 : i32
      %dma_start3A_17 = tpu.memref_slice %arg9[%mul3A_11, %dma_start3A] : memref<10240x16xf32, #tpu.memory_space<vmem_shared>> -> memref<640x16xf32, #tpu.memory_space<vmem_shared>>
      %dma_start3A_18 = arith.constant 0 : i32
      %dma_start3A_19 = tpu.memref_slice %arg9[%mul3A_11, %dma_start3A_18] : memref<10240x16xf32, #tpu.memory_space<vmem_shared>> -> memref<640x16xf32, #tpu.memory_space<vmem_shared>>
      tpu.enqueue_dma source(%dma_start3A_19 : memref<640x16xf32, #tpu.memory_space<vmem_shared>>) target(%arg8 : memref<640x16xf32, #tpu.memory_space<vmem>>) target_semaphore(%run_scoped3A : memref<!tpu.dma_semaphore, #tpu.memory_space<semaphore_mem>>)
      %dma_wait3A = arith.constant 0 : i32
      %dma_wait3A_20 = tpu.memref_slice %arg9[%mul3A_11, %dma_wait3A] : memref<10240x16xf32, #tpu.memory_space<vmem_shared>> -> memref<640x16xf32, #tpu.memory_space<vmem_shared>>
      %dma_wait3A_21 = arith.constant 0 : i32
      %dma_wait3A_22 = tpu.memref_slice %arg9[%mul3A_11, %dma_wait3A_21] : memref<10240x16xf32, #tpu.memory_space<vmem_shared>> -> memref<640x16xf32, #tpu.memory_space<vmem_shared>>
      tpu.wait_dma2 semaphore(%run_scoped3A : memref<!tpu.dma_semaphore, #tpu.memory_space<semaphore_mem>>) src(%dma_wait3A_22 : memref<640x16xf32, #tpu.memory_space<vmem_shared>>) dst(%arg8 : memref<640x16xf32, #tpu.memory_space<vmem>>)
      tpu.yield
    }) : () -> ()
    %mul3A_12 = arith.constant 10240 : i32
    %mul3A_13 = arith.muli %arg0, %mul3A_12 : i32
    %mul3A_14 = arith.constant 640 : i32
    %mul3A_15 = arith.muli %arg1, %mul3A_14 : i32
    %add3A_16 = arith.addi %mul3A_13, %mul3A_15 : i32
    "tpu.region"() ({
      %run_scoped3A = tpu.sem_alloc : memref<!tpu.dma_semaphore, #tpu.memory_space<semaphore_mem>>
      %dma_start3A = arith.constant 0 : i32
      %dma_start3A_17 = tpu.memref_slice %arg5[%add3A_16, %dma_start3A] : memref<20480x16xf32, #tpu.memory_space<hbm>> -> memref<640x16xf32, #tpu.memory_space<hbm>>
      %dma_start3A_18 = arith.constant 0 : i32
      %dma_start3A_19 = tpu.memref_slice %arg5[%add3A_16, %dma_start3A_18] : memref<20480x16xf32, #tpu.memory_space<hbm>> -> memref<640x16xf32, #tpu.memory_space<hbm>>
      tpu.enqueue_dma source(%arg8 : memref<640x16xf32, #tpu.memory_space<vmem>>) target(%dma_start3A_19 : memref<640x16xf32, #tpu.memory_space<hbm>>) target_semaphore(%run_scoped3A : memref<!tpu.dma_semaphore, #tpu.memory_space<semaphore_mem>>)
      %dma_wait3A = arith.constant 0 : i32
      %dma_wait3A_20 = tpu.memref_slice %arg5[%add3A_16, %dma_wait3A] : memref<20480x16xf32, #tpu.memory_space<hbm>> -> memref<640x16xf32, #tpu.memory_space<hbm>>
      %dma_wait3A_21 = arith.constant 0 : i32
      %dma_wait3A_22 = tpu.memref_slice %arg5[%add3A_16, %dma_wait3A_21] : memref<20480x16xf32, #tpu.memory_space<hbm>> -> memref<640x16xf32, #tpu.memory_space<hbm>>
      tpu.wait_dma2 semaphore(%run_scoped3A : memref<!tpu.dma_semaphore, #tpu.memory_space<semaphore_mem>>) src(%arg8 : memref<640x16xf32, #tpu.memory_space<vmem>>) dst(%dma_wait3A_22 : memref<640x16xf32, #tpu.memory_space<hbm>>)
      tpu.yield
    }) : () -> ()
    return
  }
}

#map = affine_map<(d0, d1) -> (0, 0)>
module attributes {stable_mosaic.version = 14 : i64} {
  func.func @agg_kernel(%arg0: i32, %arg1: i32, %arg2: memref<20480x64xf32, #tpu.memory_space<hbm>>, %arg3: memref<5120x128xi32, #tpu.memory_space<hbm>>, %arg4: memref<2560x128xi32, #tpu.memory_space<hbm>>, %arg5: memref<128x64xf32, #tpu.memory_space<hbm>>, %arg6: memref<20480x64xf32, #tpu.memory_space<hbm>>, %arg7: memref<160x128xi32, #tpu.memory_space<vmem>>, %arg8: memref<160x128xi32, #tpu.memory_space<vmem>>, %arg9: memref<128x64xf32, #tpu.memory_space<vmem>>, %arg10: memref<128x64xf32, #tpu.memory_space<vmem>>, %arg11: memref<128x64xf32, #tpu.memory_space<vmem>>, %arg12: memref<128x64xf32, #tpu.memory_space<vmem>>, %arg13: memref<10240x64xf32, #tpu.memory_space<vmem_shared>>, %arg14: memref<!tpu.dma_semaphore, #tpu.memory_space<semaphore_mem>>, %arg15: memref<!tpu.dma_semaphore, #tpu.memory_space<semaphore_mem>>, %arg16: memref<!tpu.dma_semaphore, #tpu.memory_space<semaphore_mem>>, %arg17: memref<!tpu.dma_semaphore, #tpu.memory_space<semaphore_mem>>, %arg18: memref<!tpu.dma_semaphore, #tpu.memory_space<semaphore_mem>>, %arg19: memref<!tpu.dma_semaphore, #tpu.memory_space<semaphore_mem>>, %arg20: memref<!tpu.dma_semaphore, #tpu.memory_space<semaphore_mem>>, %arg21: memref<!tpu.dma_semaphore, #tpu.memory_space<semaphore_mem>>) attributes {dimension_semantics = [#tpu.dimension_semantics<core_parallel>, #tpu.dimension_semantics<subcore_parallel>], iteration_bounds = array<i64: 2, 16>, scalar_prefetch = 0 : i64, scratch_operands = 15 : i64, tpu.core_type = #tpu.core_type<sc_vector_subcore>, window_params = [{transform_indices = #map}, {transform_indices = #map}, {transform_indices = #map}, {transform_indices = #map}, {transform_indices = #map}]} {
    %mul3A = arith.constant 16 : i32
    %mul3A_0 = arith.muli %arg0, %mul3A : i32
    %add3A = arith.addi %mul3A_0, %arg1 : i32
    %mul3A_1 = arith.constant 160 : i32
    %mul3A_2 = arith.muli %add3A, %mul3A_1 : i32
    "tpu.region"() ({
      %run_scoped3A = tpu.sem_alloc : memref<!tpu.dma_semaphore, #tpu.memory_space<semaphore_mem>>
      %dma_start3A = arith.constant 0 : i32
      %dma_start3A_26 = tpu.memref_slice %arg3[%mul3A_2, %dma_start3A] : memref<5120x128xi32, #tpu.memory_space<hbm>> -> memref<160x128xi32, #tpu.memory_space<hbm>>
      %dma_start3A_27 = arith.constant 0 : i32
      %dma_start3A_28 = tpu.memref_slice %arg3[%mul3A_2, %dma_start3A_27] : memref<5120x128xi32, #tpu.memory_space<hbm>> -> memref<160x128xi32, #tpu.memory_space<hbm>>
      tpu.enqueue_dma source(%dma_start3A_28 : memref<160x128xi32, #tpu.memory_space<hbm>>) target(%arg7 : memref<160x128xi32, #tpu.memory_space<vmem>>) target_semaphore(%run_scoped3A : memref<!tpu.dma_semaphore, #tpu.memory_space<semaphore_mem>>)
      %dma_wait3A = arith.constant 0 : i32
      %dma_wait3A_29 = tpu.memref_slice %arg3[%mul3A_2, %dma_wait3A] : memref<5120x128xi32, #tpu.memory_space<hbm>> -> memref<160x128xi32, #tpu.memory_space<hbm>>
      %dma_wait3A_30 = arith.constant 0 : i32
      %dma_wait3A_31 = tpu.memref_slice %arg3[%mul3A_2, %dma_wait3A_30] : memref<5120x128xi32, #tpu.memory_space<hbm>> -> memref<160x128xi32, #tpu.memory_space<hbm>>
      tpu.wait_dma2 semaphore(%run_scoped3A : memref<!tpu.dma_semaphore, #tpu.memory_space<semaphore_mem>>) src(%dma_wait3A_31 : memref<160x128xi32, #tpu.memory_space<hbm>>) dst(%arg7 : memref<160x128xi32, #tpu.memory_space<vmem>>)
      tpu.yield
    }) : () -> ()
    %mul3A_3 = arith.constant 160 : i32
    %mul3A_4 = arith.muli %arg1, %mul3A_3 : i32
    "tpu.region"() ({
      %run_scoped3A = tpu.sem_alloc : memref<!tpu.dma_semaphore, #tpu.memory_space<semaphore_mem>>
      %dma_start3A = arith.constant 0 : i32
      %dma_start3A_26 = tpu.memref_slice %arg4[%mul3A_4, %dma_start3A] : memref<2560x128xi32, #tpu.memory_space<hbm>> -> memref<160x128xi32, #tpu.memory_space<hbm>>
      %dma_start3A_27 = arith.constant 0 : i32
      %dma_start3A_28 = tpu.memref_slice %arg4[%mul3A_4, %dma_start3A_27] : memref<2560x128xi32, #tpu.memory_space<hbm>> -> memref<160x128xi32, #tpu.memory_space<hbm>>
      tpu.enqueue_dma source(%dma_start3A_28 : memref<160x128xi32, #tpu.memory_space<hbm>>) target(%arg8 : memref<160x128xi32, #tpu.memory_space<vmem>>) target_semaphore(%run_scoped3A : memref<!tpu.dma_semaphore, #tpu.memory_space<semaphore_mem>>)
      %dma_wait3A = arith.constant 0 : i32
      %dma_wait3A_29 = tpu.memref_slice %arg4[%mul3A_4, %dma_wait3A] : memref<2560x128xi32, #tpu.memory_space<hbm>> -> memref<160x128xi32, #tpu.memory_space<hbm>>
      %dma_wait3A_30 = arith.constant 0 : i32
      %dma_wait3A_31 = tpu.memref_slice %arg4[%mul3A_4, %dma_wait3A_30] : memref<2560x128xi32, #tpu.memory_space<hbm>> -> memref<160x128xi32, #tpu.memory_space<hbm>>
      tpu.wait_dma2 semaphore(%run_scoped3A : memref<!tpu.dma_semaphore, #tpu.memory_space<semaphore_mem>>) src(%dma_wait3A_31 : memref<160x128xi32, #tpu.memory_space<hbm>>) dst(%arg8 : memref<160x128xi32, #tpu.memory_space<vmem>>)
      tpu.yield
    }) : () -> ()
    "tpu.region"() ({
      %run_scoped3A = tpu.sem_alloc : memref<!tpu.dma_semaphore, #tpu.memory_space<semaphore_mem>>
      tpu.enqueue_dma source(%arg5 : memref<128x64xf32, #tpu.memory_space<hbm>>) target(%arg9 : memref<128x64xf32, #tpu.memory_space<vmem>>) target_semaphore(%run_scoped3A : memref<!tpu.dma_semaphore, #tpu.memory_space<semaphore_mem>>)
      tpu.wait_dma2 semaphore(%run_scoped3A : memref<!tpu.dma_semaphore, #tpu.memory_space<semaphore_mem>>) src(%arg5 : memref<128x64xf32, #tpu.memory_space<hbm>>) dst(%arg9 : memref<128x64xf32, #tpu.memory_space<vmem>>)
      tpu.yield
    }) : () -> ()
    %scan3A = arith.constant 0 : i32
    %scan3A_5 = arith.constant 0 : i32
    %scan3A_6 = arith.constant 5 : i32
    %scan3A_7 = arith.addi %scan3A_5, %scan3A_6 : i32
    %scan3A_8 = arith.constant 1 : i32
    %scan3A_9 = scf.for %scan3A_26 = %scan3A_5 to %scan3A_7 step %scan3A_8 iter_args(%scan3A_27 = %scan3A) -> (i32)  : i32 {
      %mul3A_28 = arith.constant 640 : i32
      %mul3A_29 = arith.muli %arg1, %mul3A_28 : i32
      %mul3A_30 = arith.constant 128 : i32
      %mul3A_31 = arith.muli %scan3A_26, %mul3A_30 : i32
      %add3A_32 = arith.addi %mul3A_29, %mul3A_31 : i32
      "tpu.region"() ({
        %run_scoped3A = tpu.sem_alloc : memref<!tpu.dma_semaphore, #tpu.memory_space<semaphore_mem>>
        %dma_start3A = arith.constant 0 : i32
        %dma_start3A_34 = tpu.memref_slice %arg13[%add3A_32, %dma_start3A] : memref<10240x64xf32, #tpu.memory_space<vmem_shared>> -> memref<128x64xf32, #tpu.memory_space<vmem_shared>>
        %dma_start3A_35 = arith.constant 0 : i32
        %dma_start3A_36 = tpu.memref_slice %arg13[%add3A_32, %dma_start3A_35] : memref<10240x64xf32, #tpu.memory_space<vmem_shared>> -> memref<128x64xf32, #tpu.memory_space<vmem_shared>>
        tpu.enqueue_dma source(%arg9 : memref<128x64xf32, #tpu.memory_space<vmem>>) target(%dma_start3A_36 : memref<128x64xf32, #tpu.memory_space<vmem_shared>>) target_semaphore(%run_scoped3A : memref<!tpu.dma_semaphore, #tpu.memory_space<semaphore_mem>>)
        %dma_wait3A = arith.constant 0 : i32
        %dma_wait3A_37 = tpu.memref_slice %arg13[%add3A_32, %dma_wait3A] : memref<10240x64xf32, #tpu.memory_space<vmem_shared>> -> memref<128x64xf32, #tpu.memory_space<vmem_shared>>
        %dma_wait3A_38 = arith.constant 0 : i32
        %dma_wait3A_39 = tpu.memref_slice %arg13[%add3A_32, %dma_wait3A_38] : memref<10240x64xf32, #tpu.memory_space<vmem_shared>> -> memref<128x64xf32, #tpu.memory_space<vmem_shared>>
        tpu.wait_dma2 semaphore(%run_scoped3A : memref<!tpu.dma_semaphore, #tpu.memory_space<semaphore_mem>>) src(%arg9 : memref<128x64xf32, #tpu.memory_space<vmem>>) dst(%dma_wait3A_39 : memref<128x64xf32, #tpu.memory_space<vmem_shared>>)
        tpu.yield
      }) : () -> ()
      %scan3A_33 = arith.constant 0 : i32
      scf.yield %scan3A_33 : i32
    }
    %scan3A_10 = arith.constant 5 : i32
    %barrier3A = arith.constant 0 : index
    tpu.barrier barrier_id(%barrier3A)
    %scan3A_11 = arith.constant 0 : i32
    %scan3A_12 = arith.constant 0 : i32
    %scan3A_13 = arith.constant 40 : i32
    %scan3A_14 = arith.addi %scan3A_12, %scan3A_13 : i32
    %scan3A_15 = arith.constant 1 : i32
    %scan3A_16 = scf.for %scan3A_26 = %scan3A_12 to %scan3A_14 step %scan3A_15 iter_args(%scan3A_27 = %scan3A_11) -> (i32)  : i32 {
      %mul3A_28 = arith.constant 4 : i32
      %mul3A_29 = arith.muli %scan3A_26, %mul3A_28 : i32
      %add3A_30 = arith.constant 0 : i32
      %add3A_31 = arith.addi %mul3A_29, %add3A_30 : i32
      %dma_start3A = arith.constant 0 : i32
      %dma_start3A_32 = tpu.memref_slice %arg7[%add3A_31, %dma_start3A] : memref<160x128xi32, #tpu.memory_space<vmem>> -> memref<1x128xi32, #tpu.memory_space<vmem>>
      %dma_start3A_33 = tpu.memref_squeeze %dma_start3A_32 : memref<1x128xi32, #tpu.memory_space<vmem>> -> memref<128xi32, #tpu.memory_space<vmem>>
      %dma_start3A_34 = arith.constant 0 : i32
      %dma_start3A_35 = arith.constant 0 : i32
      %dma_start3A_36 = tpu.memref_slice %arg2[%dma_start3A_34, %dma_start3A_35] : memref<20480x64xf32, #tpu.memory_space<hbm>> -> memref<20480x64xf32, #tpu.memory_space<hbm>>
      tpu.enqueue_indirect_dma source(%dma_start3A_36 : memref<20480x64xf32, #tpu.memory_space<hbm>>) target(%arg9 : memref<128x64xf32, #tpu.memory_space<vmem>>) offsets(%dma_start3A_33 : memref<128xi32, #tpu.memory_space<vmem>>) semaphore(%arg14 : memref<!tpu.dma_semaphore, #tpu.memory_space<semaphore_mem>>)
      %add3A_37 = arith.constant 1 : i32
      %add3A_38 = arith.addi %mul3A_29, %add3A_37 : i32
      %dma_start3A_39 = arith.constant 0 : i32
      %dma_start3A_40 = tpu.memref_slice %arg7[%add3A_38, %dma_start3A_39] : memref<160x128xi32, #tpu.memory_space<vmem>> -> memref<1x128xi32, #tpu.memory_space<vmem>>
      %dma_start3A_41 = tpu.memref_squeeze %dma_start3A_40 : memref<1x128xi32, #tpu.memory_space<vmem>> -> memref<128xi32, #tpu.memory_space<vmem>>
      %dma_start3A_42 = arith.constant 0 : i32
      %dma_start3A_43 = arith.constant 0 : i32
      %dma_start3A_44 = tpu.memref_slice %arg2[%dma_start3A_42, %dma_start3A_43] : memref<20480x64xf32, #tpu.memory_space<hbm>> -> memref<20480x64xf32, #tpu.memory_space<hbm>>
      tpu.enqueue_indirect_dma source(%dma_start3A_44 : memref<20480x64xf32, #tpu.memory_space<hbm>>) target(%arg10 : memref<128x64xf32, #tpu.memory_space<vmem>>) offsets(%dma_start3A_41 : memref<128xi32, #tpu.memory_space<vmem>>) semaphore(%arg15 : memref<!tpu.dma_semaphore, #tpu.memory_space<semaphore_mem>>)
      %add3A_45 = arith.constant 2 : i32
      %add3A_46 = arith.addi %mul3A_29, %add3A_45 : i32
      %dma_start3A_47 = arith.constant 0 : i32
      %dma_start3A_48 = tpu.memref_slice %arg7[%add3A_46, %dma_start3A_47] : memref<160x128xi32, #tpu.memory_space<vmem>> -> memref<1x128xi32, #tpu.memory_space<vmem>>
      %dma_start3A_49 = tpu.memref_squeeze %dma_start3A_48 : memref<1x128xi32, #tpu.memory_space<vmem>> -> memref<128xi32, #tpu.memory_space<vmem>>
      %dma_start3A_50 = arith.constant 0 : i32
      %dma_start3A_51 = arith.constant 0 : i32
      %dma_start3A_52 = tpu.memref_slice %arg2[%dma_start3A_50, %dma_start3A_51] : memref<20480x64xf32, #tpu.memory_space<hbm>> -> memref<20480x64xf32, #tpu.memory_space<hbm>>
      tpu.enqueue_indirect_dma source(%dma_start3A_52 : memref<20480x64xf32, #tpu.memory_space<hbm>>) target(%arg11 : memref<128x64xf32, #tpu.memory_space<vmem>>) offsets(%dma_start3A_49 : memref<128xi32, #tpu.memory_space<vmem>>) semaphore(%arg16 : memref<!tpu.dma_semaphore, #tpu.memory_space<semaphore_mem>>)
      %add3A_53 = arith.constant 3 : i32
      %add3A_54 = arith.addi %mul3A_29, %add3A_53 : i32
      %dma_start3A_55 = arith.constant 0 : i32
      %dma_start3A_56 = tpu.memref_slice %arg7[%add3A_54, %dma_start3A_55] : memref<160x128xi32, #tpu.memory_space<vmem>> -> memref<1x128xi32, #tpu.memory_space<vmem>>
      %dma_start3A_57 = tpu.memref_squeeze %dma_start3A_56 : memref<1x128xi32, #tpu.memory_space<vmem>> -> memref<128xi32, #tpu.memory_space<vmem>>
      %dma_start3A_58 = arith.constant 0 : i32
      %dma_start3A_59 = arith.constant 0 : i32
      %dma_start3A_60 = tpu.memref_slice %arg2[%dma_start3A_58, %dma_start3A_59] : memref<20480x64xf32, #tpu.memory_space<hbm>> -> memref<20480x64xf32, #tpu.memory_space<hbm>>
      tpu.enqueue_indirect_dma source(%dma_start3A_60 : memref<20480x64xf32, #tpu.memory_space<hbm>>) target(%arg12 : memref<128x64xf32, #tpu.memory_space<vmem>>) offsets(%dma_start3A_57 : memref<128xi32, #tpu.memory_space<vmem>>) semaphore(%arg17 : memref<!tpu.dma_semaphore, #tpu.memory_space<semaphore_mem>>)
      %dma_wait3A = arith.constant 0 : i32
      %dma_wait3A_61 = tpu.memref_slice %arg7[%add3A_31, %dma_wait3A] : memref<160x128xi32, #tpu.memory_space<vmem>> -> memref<1x128xi32, #tpu.memory_space<vmem>>
      %dma_wait3A_62 = tpu.memref_squeeze %dma_wait3A_61 : memref<1x128xi32, #tpu.memory_space<vmem>> -> memref<128xi32, #tpu.memory_space<vmem>>
      %dma_wait3A_63 = arith.constant 0 : i32
      %dma_wait3A_64 = arith.constant 0 : i32
      %dma_wait3A_65 = tpu.memref_slice %arg2[%dma_wait3A_63, %dma_wait3A_64] : memref<20480x64xf32, #tpu.memory_space<hbm>> -> memref<20480x64xf32, #tpu.memory_space<hbm>>
      tpu.wait_indirect_dma semaphore(%arg14 : memref<!tpu.dma_semaphore, #tpu.memory_space<semaphore_mem>>) src(%dma_wait3A_65 : memref<20480x64xf32, #tpu.memory_space<hbm>>) dst(%arg9 : memref<128x64xf32, #tpu.memory_space<vmem>>)
      %add3A_66 = arith.constant 0 : i32
      %add3A_67 = arith.addi %mul3A_29, %add3A_66 : i32
      %dma_start3A_68 = arith.constant 0 : i32
      %dma_start3A_69 = tpu.memref_slice %arg8[%add3A_67, %dma_start3A_68] : memref<160x128xi32, #tpu.memory_space<vmem>> -> memref<1x128xi32, #tpu.memory_space<vmem>>
      %dma_start3A_70 = tpu.memref_squeeze %dma_start3A_69 : memref<1x128xi32, #tpu.memory_space<vmem>> -> memref<128xi32, #tpu.memory_space<vmem>>
      %dma_start3A_71 = arith.constant 0 : i32
      %dma_start3A_72 = arith.constant 0 : i32
      %dma_start3A_73 = tpu.memref_slice %arg13[%dma_start3A_71, %dma_start3A_72] : memref<10240x64xf32, #tpu.memory_space<vmem_shared>> -> memref<10240x64xf32, #tpu.memory_space<vmem_shared>>
      tpu.enqueue_indirect_dma source(%arg9 : memref<128x64xf32, #tpu.memory_space<vmem>>) target(%dma_start3A_73 : memref<10240x64xf32, #tpu.memory_space<vmem_shared>>) offsets(%dma_start3A_70 : memref<128xi32, #tpu.memory_space<vmem>>) semaphore(%arg18 : memref<!tpu.dma_semaphore, #tpu.memory_space<semaphore_mem>>) {add = true}
      %dma_wait3A_74 = arith.constant 0 : i32
      %dma_wait3A_75 = tpu.memref_slice %arg7[%add3A_38, %dma_wait3A_74] : memref<160x128xi32, #tpu.memory_space<vmem>> -> memref<1x128xi32, #tpu.memory_space<vmem>>
      %dma_wait3A_76 = tpu.memref_squeeze %dma_wait3A_75 : memref<1x128xi32, #tpu.memory_space<vmem>> -> memref<128xi32, #tpu.memory_space<vmem>>
      %dma_wait3A_77 = arith.constant 0 : i32
      %dma_wait3A_78 = arith.constant 0 : i32
      %dma_wait3A_79 = tpu.memref_slice %arg2[%dma_wait3A_77, %dma_wait3A_78] : memref<20480x64xf32, #tpu.memory_space<hbm>> -> memref<20480x64xf32, #tpu.memory_space<hbm>>
      tpu.wait_indirect_dma semaphore(%arg15 : memref<!tpu.dma_semaphore, #tpu.memory_space<semaphore_mem>>) src(%dma_wait3A_79 : memref<20480x64xf32, #tpu.memory_space<hbm>>) dst(%arg10 : memref<128x64xf32, #tpu.memory_space<vmem>>)
      %add3A_80 = arith.constant 1 : i32
      %add3A_81 = arith.addi %mul3A_29, %add3A_80 : i32
      %dma_start3A_82 = arith.constant 0 : i32
      %dma_start3A_83 = tpu.memref_slice %arg8[%add3A_81, %dma_start3A_82] : memref<160x128xi32, #tpu.memory_space<vmem>> -> memref<1x128xi32, #tpu.memory_space<vmem>>
      %dma_start3A_84 = tpu.memref_squeeze %dma_start3A_83 : memref<1x128xi32, #tpu.memory_space<vmem>> -> memref<128xi32, #tpu.memory_space<vmem>>
      %dma_start3A_85 = arith.constant 0 : i32
      %dma_start3A_86 = arith.constant 0 : i32
      %dma_start3A_87 = tpu.memref_slice %arg13[%dma_start3A_85, %dma_start3A_86] : memref<10240x64xf32, #tpu.memory_space<vmem_shared>> -> memref<10240x64xf32, #tpu.memory_space<vmem_shared>>
      tpu.enqueue_indirect_dma source(%arg10 : memref<128x64xf32, #tpu.memory_space<vmem>>) target(%dma_start3A_87 : memref<10240x64xf32, #tpu.memory_space<vmem_shared>>) offsets(%dma_start3A_84 : memref<128xi32, #tpu.memory_space<vmem>>) semaphore(%arg19 : memref<!tpu.dma_semaphore, #tpu.memory_space<semaphore_mem>>) {add = true}
      %dma_wait3A_88 = arith.constant 0 : i32
      %dma_wait3A_89 = tpu.memref_slice %arg7[%add3A_46, %dma_wait3A_88] : memref<160x128xi32, #tpu.memory_space<vmem>> -> memref<1x128xi32, #tpu.memory_space<vmem>>
      %dma_wait3A_90 = tpu.memref_squeeze %dma_wait3A_89 : memref<1x128xi32, #tpu.memory_space<vmem>> -> memref<128xi32, #tpu.memory_space<vmem>>
      %dma_wait3A_91 = arith.constant 0 : i32
      %dma_wait3A_92 = arith.constant 0 : i32
      %dma_wait3A_93 = tpu.memref_slice %arg2[%dma_wait3A_91, %dma_wait3A_92] : memref<20480x64xf32, #tpu.memory_space<hbm>> -> memref<20480x64xf32, #tpu.memory_space<hbm>>
      tpu.wait_indirect_dma semaphore(%arg16 : memref<!tpu.dma_semaphore, #tpu.memory_space<semaphore_mem>>) src(%dma_wait3A_93 : memref<20480x64xf32, #tpu.memory_space<hbm>>) dst(%arg11 : memref<128x64xf32, #tpu.memory_space<vmem>>)
      %add3A_94 = arith.constant 2 : i32
      %add3A_95 = arith.addi %mul3A_29, %add3A_94 : i32
      %dma_start3A_96 = arith.constant 0 : i32
      %dma_start3A_97 = tpu.memref_slice %arg8[%add3A_95, %dma_start3A_96] : memref<160x128xi32, #tpu.memory_space<vmem>> -> memref<1x128xi32, #tpu.memory_space<vmem>>
      %dma_start3A_98 = tpu.memref_squeeze %dma_start3A_97 : memref<1x128xi32, #tpu.memory_space<vmem>> -> memref<128xi32, #tpu.memory_space<vmem>>
      %dma_start3A_99 = arith.constant 0 : i32
      %dma_start3A_100 = arith.constant 0 : i32
      %dma_start3A_101 = tpu.memref_slice %arg13[%dma_start3A_99, %dma_start3A_100] : memref<10240x64xf32, #tpu.memory_space<vmem_shared>> -> memref<10240x64xf32, #tpu.memory_space<vmem_shared>>
      tpu.enqueue_indirect_dma source(%arg11 : memref<128x64xf32, #tpu.memory_space<vmem>>) target(%dma_start3A_101 : memref<10240x64xf32, #tpu.memory_space<vmem_shared>>) offsets(%dma_start3A_98 : memref<128xi32, #tpu.memory_space<vmem>>) semaphore(%arg20 : memref<!tpu.dma_semaphore, #tpu.memory_space<semaphore_mem>>) {add = true}
      %dma_wait3A_102 = arith.constant 0 : i32
      %dma_wait3A_103 = tpu.memref_slice %arg7[%add3A_54, %dma_wait3A_102] : memref<160x128xi32, #tpu.memory_space<vmem>> -> memref<1x128xi32, #tpu.memory_space<vmem>>
      %dma_wait3A_104 = tpu.memref_squeeze %dma_wait3A_103 : memref<1x128xi32, #tpu.memory_space<vmem>> -> memref<128xi32, #tpu.memory_space<vmem>>
      %dma_wait3A_105 = arith.constant 0 : i32
      %dma_wait3A_106 = arith.constant 0 : i32
      %dma_wait3A_107 = tpu.memref_slice %arg2[%dma_wait3A_105, %dma_wait3A_106] : memref<20480x64xf32, #tpu.memory_space<hbm>> -> memref<20480x64xf32, #tpu.memory_space<hbm>>
      tpu.wait_indirect_dma semaphore(%arg17 : memref<!tpu.dma_semaphore, #tpu.memory_space<semaphore_mem>>) src(%dma_wait3A_107 : memref<20480x64xf32, #tpu.memory_space<hbm>>) dst(%arg12 : memref<128x64xf32, #tpu.memory_space<vmem>>)
      %add3A_108 = arith.constant 3 : i32
      %add3A_109 = arith.addi %mul3A_29, %add3A_108 : i32
      %dma_start3A_110 = arith.constant 0 : i32
      %dma_start3A_111 = tpu.memref_slice %arg8[%add3A_109, %dma_start3A_110] : memref<160x128xi32, #tpu.memory_space<vmem>> -> memref<1x128xi32, #tpu.memory_space<vmem>>
      %dma_start3A_112 = tpu.memref_squeeze %dma_start3A_111 : memref<1x128xi32, #tpu.memory_space<vmem>> -> memref<128xi32, #tpu.memory_space<vmem>>
      %dma_start3A_113 = arith.constant 0 : i32
      %dma_start3A_114 = arith.constant 0 : i32
      %dma_start3A_115 = tpu.memref_slice %arg13[%dma_start3A_113, %dma_start3A_114] : memref<10240x64xf32, #tpu.memory_space<vmem_shared>> -> memref<10240x64xf32, #tpu.memory_space<vmem_shared>>
      tpu.enqueue_indirect_dma source(%arg12 : memref<128x64xf32, #tpu.memory_space<vmem>>) target(%dma_start3A_115 : memref<10240x64xf32, #tpu.memory_space<vmem_shared>>) offsets(%dma_start3A_112 : memref<128xi32, #tpu.memory_space<vmem>>) semaphore(%arg21 : memref<!tpu.dma_semaphore, #tpu.memory_space<semaphore_mem>>) {add = true}
      %dma_wait3A_116 = arith.constant 0 : i32
      %dma_wait3A_117 = tpu.memref_slice %arg8[%add3A_67, %dma_wait3A_116] : memref<160x128xi32, #tpu.memory_space<vmem>> -> memref<1x128xi32, #tpu.memory_space<vmem>>
      %dma_wait3A_118 = tpu.memref_squeeze %dma_wait3A_117 : memref<1x128xi32, #tpu.memory_space<vmem>> -> memref<128xi32, #tpu.memory_space<vmem>>
      %dma_wait3A_119 = arith.constant 0 : i32
      %dma_wait3A_120 = arith.constant 0 : i32
      %dma_wait3A_121 = tpu.memref_slice %arg13[%dma_wait3A_119, %dma_wait3A_120] : memref<10240x64xf32, #tpu.memory_space<vmem_shared>> -> memref<10240x64xf32, #tpu.memory_space<vmem_shared>>
      tpu.wait_indirect_dma semaphore(%arg18 : memref<!tpu.dma_semaphore, #tpu.memory_space<semaphore_mem>>) src(%arg9 : memref<128x64xf32, #tpu.memory_space<vmem>>) dst(%dma_wait3A_121 : memref<10240x64xf32, #tpu.memory_space<vmem_shared>>)
      %dma_wait3A_122 = arith.constant 0 : i32
      %dma_wait3A_123 = tpu.memref_slice %arg8[%add3A_81, %dma_wait3A_122] : memref<160x128xi32, #tpu.memory_space<vmem>> -> memref<1x128xi32, #tpu.memory_space<vmem>>
      %dma_wait3A_124 = tpu.memref_squeeze %dma_wait3A_123 : memref<1x128xi32, #tpu.memory_space<vmem>> -> memref<128xi32, #tpu.memory_space<vmem>>
      %dma_wait3A_125 = arith.constant 0 : i32
      %dma_wait3A_126 = arith.constant 0 : i32
      %dma_wait3A_127 = tpu.memref_slice %arg13[%dma_wait3A_125, %dma_wait3A_126] : memref<10240x64xf32, #tpu.memory_space<vmem_shared>> -> memref<10240x64xf32, #tpu.memory_space<vmem_shared>>
      tpu.wait_indirect_dma semaphore(%arg19 : memref<!tpu.dma_semaphore, #tpu.memory_space<semaphore_mem>>) src(%arg10 : memref<128x64xf32, #tpu.memory_space<vmem>>) dst(%dma_wait3A_127 : memref<10240x64xf32, #tpu.memory_space<vmem_shared>>)
      %dma_wait3A_128 = arith.constant 0 : i32
      %dma_wait3A_129 = tpu.memref_slice %arg8[%add3A_95, %dma_wait3A_128] : memref<160x128xi32, #tpu.memory_space<vmem>> -> memref<1x128xi32, #tpu.memory_space<vmem>>
      %dma_wait3A_130 = tpu.memref_squeeze %dma_wait3A_129 : memref<1x128xi32, #tpu.memory_space<vmem>> -> memref<128xi32, #tpu.memory_space<vmem>>
      %dma_wait3A_131 = arith.constant 0 : i32
      %dma_wait3A_132 = arith.constant 0 : i32
      %dma_wait3A_133 = tpu.memref_slice %arg13[%dma_wait3A_131, %dma_wait3A_132] : memref<10240x64xf32, #tpu.memory_space<vmem_shared>> -> memref<10240x64xf32, #tpu.memory_space<vmem_shared>>
      tpu.wait_indirect_dma semaphore(%arg20 : memref<!tpu.dma_semaphore, #tpu.memory_space<semaphore_mem>>) src(%arg11 : memref<128x64xf32, #tpu.memory_space<vmem>>) dst(%dma_wait3A_133 : memref<10240x64xf32, #tpu.memory_space<vmem_shared>>)
      %dma_wait3A_134 = arith.constant 0 : i32
      %dma_wait3A_135 = tpu.memref_slice %arg8[%add3A_109, %dma_wait3A_134] : memref<160x128xi32, #tpu.memory_space<vmem>> -> memref<1x128xi32, #tpu.memory_space<vmem>>
      %dma_wait3A_136 = tpu.memref_squeeze %dma_wait3A_135 : memref<1x128xi32, #tpu.memory_space<vmem>> -> memref<128xi32, #tpu.memory_space<vmem>>
      %dma_wait3A_137 = arith.constant 0 : i32
      %dma_wait3A_138 = arith.constant 0 : i32
      %dma_wait3A_139 = tpu.memref_slice %arg13[%dma_wait3A_137, %dma_wait3A_138] : memref<10240x64xf32, #tpu.memory_space<vmem_shared>> -> memref<10240x64xf32, #tpu.memory_space<vmem_shared>>
      tpu.wait_indirect_dma semaphore(%arg21 : memref<!tpu.dma_semaphore, #tpu.memory_space<semaphore_mem>>) src(%arg12 : memref<128x64xf32, #tpu.memory_space<vmem>>) dst(%dma_wait3A_139 : memref<10240x64xf32, #tpu.memory_space<vmem_shared>>)
      %scan3A_140 = arith.constant 0 : i32
      scf.yield %scan3A_140 : i32
    }
    %scan3A_17 = arith.constant 40 : i32
    %barrier3A_18 = arith.constant 0 : index
    tpu.barrier barrier_id(%barrier3A_18)
    %scan3A_19 = arith.constant 0 : i32
    %scan3A_20 = arith.constant 0 : i32
    %scan3A_21 = arith.constant 5 : i32
    %scan3A_22 = arith.addi %scan3A_20, %scan3A_21 : i32
    %scan3A_23 = arith.constant 1 : i32
    %scan3A_24 = scf.for %scan3A_26 = %scan3A_20 to %scan3A_22 step %scan3A_23 iter_args(%scan3A_27 = %scan3A_19) -> (i32)  : i32 {
      %mul3A_28 = arith.constant 640 : i32
      %mul3A_29 = arith.muli %arg1, %mul3A_28 : i32
      %mul3A_30 = arith.constant 128 : i32
      %mul3A_31 = arith.muli %scan3A_26, %mul3A_30 : i32
      %add3A_32 = arith.addi %mul3A_29, %mul3A_31 : i32
      "tpu.region"() ({
        %run_scoped3A = tpu.sem_alloc : memref<!tpu.dma_semaphore, #tpu.memory_space<semaphore_mem>>
        %dma_start3A = arith.constant 0 : i32
        %dma_start3A_37 = tpu.memref_slice %arg13[%add3A_32, %dma_start3A] : memref<10240x64xf32, #tpu.memory_space<vmem_shared>> -> memref<128x64xf32, #tpu.memory_space<vmem_shared>>
        %dma_start3A_38 = arith.constant 0 : i32
        %dma_start3A_39 = tpu.memref_slice %arg13[%add3A_32, %dma_start3A_38] : memref<10240x64xf32, #tpu.memory_space<vmem_shared>> -> memref<128x64xf32, #tpu.memory_space<vmem_shared>>
        tpu.enqueue_dma source(%dma_start3A_39 : memref<128x64xf32, #tpu.memory_space<vmem_shared>>) target(%arg9 : memref<128x64xf32, #tpu.memory_space<vmem>>) target_semaphore(%run_scoped3A : memref<!tpu.dma_semaphore, #tpu.memory_space<semaphore_mem>>)
        %dma_wait3A = arith.constant 0 : i32
        %dma_wait3A_40 = tpu.memref_slice %arg13[%add3A_32, %dma_wait3A] : memref<10240x64xf32, #tpu.memory_space<vmem_shared>> -> memref<128x64xf32, #tpu.memory_space<vmem_shared>>
        %dma_wait3A_41 = arith.constant 0 : i32
        %dma_wait3A_42 = tpu.memref_slice %arg13[%add3A_32, %dma_wait3A_41] : memref<10240x64xf32, #tpu.memory_space<vmem_shared>> -> memref<128x64xf32, #tpu.memory_space<vmem_shared>>
        tpu.wait_dma2 semaphore(%run_scoped3A : memref<!tpu.dma_semaphore, #tpu.memory_space<semaphore_mem>>) src(%dma_wait3A_42 : memref<128x64xf32, #tpu.memory_space<vmem_shared>>) dst(%arg9 : memref<128x64xf32, #tpu.memory_space<vmem>>)
        tpu.yield
      }) : () -> ()
      %mul3A_33 = arith.constant 10240 : i32
      %mul3A_34 = arith.muli %arg0, %mul3A_33 : i32
      %add3A_35 = arith.addi %mul3A_34, %add3A_32 : i32
      "tpu.region"() ({
        %run_scoped3A = tpu.sem_alloc : memref<!tpu.dma_semaphore, #tpu.memory_space<semaphore_mem>>
        %dma_start3A = arith.constant 0 : i32
        %dma_start3A_37 = tpu.memref_slice %arg6[%add3A_35, %dma_start3A] : memref<20480x64xf32, #tpu.memory_space<hbm>> -> memref<128x64xf32, #tpu.memory_space<hbm>>
        %dma_start3A_38 = arith.constant 0 : i32
        %dma_start3A_39 = tpu.memref_slice %arg6[%add3A_35, %dma_start3A_38] : memref<20480x64xf32, #tpu.memory_space<hbm>> -> memref<128x64xf32, #tpu.memory_space<hbm>>
        tpu.enqueue_dma source(%arg9 : memref<128x64xf32, #tpu.memory_space<vmem>>) target(%dma_start3A_39 : memref<128x64xf32, #tpu.memory_space<hbm>>) target_semaphore(%run_scoped3A : memref<!tpu.dma_semaphore, #tpu.memory_space<semaphore_mem>>)
        %dma_wait3A = arith.constant 0 : i32
        %dma_wait3A_40 = tpu.memref_slice %arg6[%add3A_35, %dma_wait3A] : memref<20480x64xf32, #tpu.memory_space<hbm>> -> memref<128x64xf32, #tpu.memory_space<hbm>>
        %dma_wait3A_41 = arith.constant 0 : i32
        %dma_wait3A_42 = tpu.memref_slice %arg6[%add3A_35, %dma_wait3A_41] : memref<20480x64xf32, #tpu.memory_space<hbm>> -> memref<128x64xf32, #tpu.memory_space<hbm>>
        tpu.wait_dma2 semaphore(%run_scoped3A : memref<!tpu.dma_semaphore, #tpu.memory_space<semaphore_mem>>) src(%arg9 : memref<128x64xf32, #tpu.memory_space<vmem>>) dst(%dma_wait3A_42 : memref<128x64xf32, #tpu.memory_space<hbm>>)
        tpu.yield
      }) : () -> ()
      %scan3A_36 = arith.constant 0 : i32
      scf.yield %scan3A_36 : i32
    }
    %scan3A_25 = arith.constant 5 : i32
    return
  }
}

module attributes {stable_mosaic.version = 14 : i64} {
  func.func @body(%arg0: i32, %arg1: memref<2x1024x16xf32, #tpu.memory_space<vmem>>, %arg2: memref<1024x128xf32, #tpu.memory_space<vmem>>, %arg3: memref<128x128xf32, #tpu.memory_space<vmem>>, %arg4: memref<2x1024x64xf32, #tpu.memory_space<vmem>>) attributes {dimension_semantics = [#tpu.dimension_semantics<arbitrary>], iteration_bounds = array<i64: 10>, scalar_prefetch = 0 : i64, scratch_operands = 0 : i64, tpu.core_type = #tpu.core_type<tc>, window_params = [{transform_indices = @transform_0, window_bounds = array<i64: 2, 1024, 16>}, {transform_indices = @transform_1, window_bounds = array<i64: 1024, 128>}, {pipeline_mode = #tpu.pipeline_mode<synchronous>, transform_indices = @transform_2, window_bounds = array<i64: 128, 128>}, {transform_indices = @transform_3, window_bounds = array<i64: 2, 1024, 64>}]} {
    %get3A = arith.constant 0 : index
    %get3A_0 = arith.constant 0 : index
    %get3A_1 = arith.constant 0 : index
    %get3A_2 = vector.load %arg1[%get3A, %get3A_0, %get3A_1] : memref<2x1024x16xf32, #tpu.memory_space<vmem>>, vector<1x1024x1xf32>
    %get3A_3 = vector.shape_cast %get3A_2 : vector<1x1024x1xf32> to vector<1024x1xf32>
    %get3A_4 = arith.constant 1 : index
    %get3A_5 = arith.constant 0 : index
    %get3A_6 = arith.constant 0 : index
    %get3A_7 = vector.load %arg1[%get3A_4, %get3A_5, %get3A_6] : memref<2x1024x16xf32, #tpu.memory_space<vmem>>, vector<1x1024x1xf32>
    %get3A_8 = vector.shape_cast %get3A_7 : vector<1x1024x1xf32> to vector<1024x1xf32>
    %add3A = arith.addf %get3A_3, %get3A_8 : vector<1024x1xf32>
    %add3A_9 = arith.constant 1.000000e+00 : f32
    %add3A_10 = vector.broadcast %add3A_9 : f32 to vector<1024x1xf32>
    %add3A_11 = arith.addf %add3A, %add3A_10 : vector<1024x1xf32>
    %rsqrt3A = math.rsqrt %add3A_11 : vector<1024x1xf32>
    %get3A_12 = arith.constant 0 : index
    %get3A_13 = arith.constant 0 : index
    %get3A_14 = vector.load %arg2[%get3A_12, %get3A_13] : memref<1024x128xf32, #tpu.memory_space<vmem>>, vector<1024x128xf32>
    %get3A_15 = arith.constant 0 : index
    %get3A_16 = arith.constant 0 : index
    %get3A_17 = vector.load %arg3[%get3A_15, %get3A_16] : memref<128x128xf32, #tpu.memory_space<vmem>>, vector<128x128xf32>
    %dot_general3A = arith.constant dense<0.000000e+00> : vector<1024x128xf32>
    %dot_general3A_18 = tpu.matmul %get3A_14, %get3A_17, %dot_general3A {dimension_numbers = #tpu.dot_dimension_numbers<[1], [0], [0], [1], [0, 0, 1, 1], [], []>, transpose_lhs_hint = false} : vector<1024x128xf32>, vector<128x128xf32>, vector<1024x128xf32> -> vector<1024x128xf32>
    %mul3A = vector.broadcast %rsqrt3A : vector<1024x1xf32> to vector<1024x128xf32>
    %mul3A_19 = arith.mulf %dot_general3A_18, %mul3A : vector<1024x128xf32>
    %slice3A = vector.extract_strided_slice %mul3A_19 {offsets = [0, 0], sizes = [1024, 64], strides = [1, 1]} : vector<1024x128xf32> to vector<1024x64xf32>
    %slice3A_20 = vector.extract_strided_slice %mul3A_19 {offsets = [0, 64], sizes = [1024, 64], strides = [1, 1]} : vector<1024x128xf32> to vector<1024x64xf32>
    %swap3A = arith.constant 0 : index
    %swap3A_21 = arith.constant 0 : index
    %swap3A_22 = arith.constant 0 : index
    %swap3A_23 = vector.load %arg4[%swap3A, %swap3A_21, %swap3A_22] : memref<2x1024x64xf32, #tpu.memory_space<vmem>>, vector<1x1024x64xf32>
    %swap3A_24 = vector.shape_cast %swap3A_23 : vector<1x1024x64xf32> to vector<1024x64xf32>
    %swap3A_25 = vector.shape_cast %slice3A : vector<1024x64xf32> to vector<1x1024x64xf32>
    tpu.vector_store %arg4[%swap3A, %swap3A_21, %swap3A_22], %swap3A_25 {strides = array<i32>} : memref<2x1024x64xf32, #tpu.memory_space<vmem>>, vector<1x1024x64xf32>,
    %swap3A_26 = arith.constant 1 : index
    %swap3A_27 = arith.constant 0 : index
    %swap3A_28 = arith.constant 0 : index
    %swap3A_29 = vector.load %arg4[%swap3A_26, %swap3A_27, %swap3A_28] : memref<2x1024x64xf32, #tpu.memory_space<vmem>>, vector<1x1024x64xf32>
    %swap3A_30 = vector.shape_cast %swap3A_29 : vector<1x1024x64xf32> to vector<1024x64xf32>
    %swap3A_31 = vector.shape_cast %slice3A_20 : vector<1024x64xf32> to vector<1x1024x64xf32>
    tpu.vector_store %arg4[%swap3A_26, %swap3A_27, %swap3A_28], %swap3A_31 {strides = array<i32>} : memref<2x1024x64xf32, #tpu.memory_space<vmem>>, vector<1x1024x64xf32>,
    return
  }
  func.func @transform_0(%arg0: i32) -> (i32, i32, i32) {
    %c0_i32 = arith.constant 0 : i32
    %c0_i32_0 = arith.constant 0 : i32
    %c0_i32_1 = arith.constant 0 : i32
    return %c0_i32, %arg0, %c0_i32_0 : i32, i32, i32
  }
  func.func @transform_1(%arg0: i32) -> (i32, i32) {
    %c0_i32 = arith.constant 0 : i32
    %c0_i32_0 = arith.constant 0 : i32
    return %arg0, %c0_i32 : i32, i32
  }
  func.func @transform_2(%arg0: i32) -> (i32, i32) {
    %c0_i32 = arith.constant 0 : i32
    %c0_i32_0 = arith.constant 0 : i32
    %c0_i32_1 = arith.constant 0 : i32
    return %c0_i32, %c0_i32_0 : i32, i32
  }
  func.func @transform_3(%arg0: i32) -> (i32, i32, i32) {
    %c0_i32 = arith.constant 0 : i32
    %c0_i32_0 = arith.constant 0 : i32
    %c0_i32_1 = arith.constant 0 : i32
    return %c0_i32, %arg0, %c0_i32_0 : i32, i32, i32
  }
}

module attributes {stable_mosaic.version = 14 : i64} {
  func.func @body(%arg0: i32, %arg1: memref<2x1024x64xf32, #tpu.memory_space<vmem>>, %arg2: memref<2x1024x64xf32, #tpu.memory_space<vmem>>, %arg3: memref<2x1024x16xf32, #tpu.memory_space<vmem>>, %arg4: memref<1x128xf32, #tpu.memory_space<vmem>>, %arg5: memref<128x128xf32, #tpu.memory_space<vmem>>, %arg6: memref<2x1024x64xf32, #tpu.memory_space<vmem>>) attributes {dimension_semantics = [#tpu.dimension_semantics<arbitrary>], iteration_bounds = array<i64: 10>, scalar_prefetch = 0 : i64, scratch_operands = 0 : i64, tpu.core_type = #tpu.core_type<tc>, window_params = [{transform_indices = @transform_0, window_bounds = array<i64: 2, 1024, 64>}, {transform_indices = @transform_1, window_bounds = array<i64: 2, 1024, 64>}, {transform_indices = @transform_2, window_bounds = array<i64: 2, 1024, 16>}, {pipeline_mode = #tpu.pipeline_mode<synchronous>, transform_indices = @transform_3, window_bounds = array<i64: 1, 128>}, {pipeline_mode = #tpu.pipeline_mode<synchronous>, transform_indices = @transform_4, window_bounds = array<i64: 128, 128>}, {transform_indices = @transform_5, window_bounds = array<i64: 2, 1024, 64>}]} {
    %get3A = arith.constant 0 : index
    %get3A_0 = arith.constant 0 : index
    %get3A_1 = arith.constant 0 : index
    %get3A_2 = vector.load %arg3[%get3A, %get3A_0, %get3A_1] : memref<2x1024x16xf32, #tpu.memory_space<vmem>>, vector<1x1024x1xf32>
    %get3A_3 = vector.shape_cast %get3A_2 : vector<1x1024x1xf32> to vector<1024x1xf32>
    %get3A_4 = arith.constant 1 : index
    %get3A_5 = arith.constant 0 : index
    %get3A_6 = arith.constant 0 : index
    %get3A_7 = vector.load %arg3[%get3A_4, %get3A_5, %get3A_6] : memref<2x1024x16xf32, #tpu.memory_space<vmem>>, vector<1x1024x1xf32>
    %get3A_8 = vector.shape_cast %get3A_7 : vector<1x1024x1xf32> to vector<1024x1xf32>
    %add3A = arith.addf %get3A_3, %get3A_8 : vector<1024x1xf32>
    %add3A_9 = arith.constant 1.000000e+00 : f32
    %add3A_10 = vector.broadcast %add3A_9 : f32 to vector<1024x1xf32>
    %add3A_11 = arith.addf %add3A, %add3A_10 : vector<1024x1xf32>
    %rsqrt3A = math.rsqrt %add3A_11 : vector<1024x1xf32>
    %get3A_12 = arith.constant 0 : index
    %get3A_13 = arith.constant 0 : index
    %get3A_14 = arith.constant 0 : index
    %get3A_15 = vector.load %arg1[%get3A_12, %get3A_13, %get3A_14] : memref<2x1024x64xf32, #tpu.memory_space<vmem>>, vector<1x1024x64xf32>
    %get3A_16 = vector.shape_cast %get3A_15 : vector<1x1024x64xf32> to vector<1024x64xf32>
    %get3A_17 = arith.constant 1 : index
    %get3A_18 = arith.constant 0 : index
    %get3A_19 = arith.constant 0 : index
    %get3A_20 = vector.load %arg1[%get3A_17, %get3A_18, %get3A_19] : memref<2x1024x64xf32, #tpu.memory_space<vmem>>, vector<1x1024x64xf32>
    %get3A_21 = vector.shape_cast %get3A_20 : vector<1x1024x64xf32> to vector<1024x64xf32>
    %concatenate3A = tpu.concatenate %get3A_16, %get3A_21 in 1 : vector<1024x64xf32>, vector<1024x64xf32> -> vector<1024x128xf32>
    %get3A_22 = arith.constant 0 : index
    %get3A_23 = arith.constant 0 : index
    %get3A_24 = arith.constant 0 : index
    %get3A_25 = vector.load %arg2[%get3A_22, %get3A_23, %get3A_24] : memref<2x1024x64xf32, #tpu.memory_space<vmem>>, vector<1x1024x64xf32>
    %get3A_26 = vector.shape_cast %get3A_25 : vector<1x1024x64xf32> to vector<1024x64xf32>
    %get3A_27 = arith.constant 1 : index
    %get3A_28 = arith.constant 0 : index
    %get3A_29 = arith.constant 0 : index
    %get3A_30 = vector.load %arg2[%get3A_27, %get3A_28, %get3A_29] : memref<2x1024x64xf32, #tpu.memory_space<vmem>>, vector<1x1024x64xf32>
    %get3A_31 = vector.shape_cast %get3A_30 : vector<1x1024x64xf32> to vector<1024x64xf32>
    %concatenate3A_32 = tpu.concatenate %get3A_26, %get3A_31 in 1 : vector<1024x64xf32>, vector<1024x64xf32> -> vector<1024x128xf32>
    %add3A_33 = arith.addf %concatenate3A, %concatenate3A_32 : vector<1024x128xf32>
    %mul3A = vector.broadcast %rsqrt3A : vector<1024x1xf32> to vector<1024x128xf32>
    %mul3A_34 = arith.mulf %add3A_33, %mul3A : vector<1024x128xf32>
    %get3A_35 = arith.constant 0 : index
    %get3A_36 = arith.constant 0 : index
    %get3A_37 = vector.load %arg4[%get3A_35, %get3A_36] : memref<1x128xf32, #tpu.memory_space<vmem>>, vector<1x128xf32>
    %add3A_38 = vector.broadcast %get3A_37 : vector<1x128xf32> to vector<1024x128xf32>
    %add3A_39 = arith.addf %mul3A_34, %add3A_38 : vector<1024x128xf32>
    %reduce_sum3A = arith.constant dense<0.000000e+00> : vector<1024xf32>
    %reduce_sum3A_40 = vector.multi_reduction <add>, %add3A_39, %reduce_sum3A [1] : vector<1024x128xf32> to vector<1024xf32>
    %broadcast_in_dim3A = vector.shape_cast %reduce_sum3A_40 : vector<1024xf32> to vector<1024x1xf32>
    %div3A = arith.constant 1.280000e+02 : f32
    %div3A_41 = vector.broadcast %div3A : f32 to vector<1024x1xf32>
    %div3A_42 = arith.divf %broadcast_in_dim3A, %div3A_41 : vector<1024x1xf32>
    %sub3A = vector.broadcast %div3A_42 : vector<1024x1xf32> to vector<1024x128xf32>
    %sub3A_43 = arith.subf %add3A_39, %sub3A : vector<1024x128xf32>
    %integer_pow3A = arith.mulf %sub3A_43, %sub3A_43 : vector<1024x128xf32>
    %reduce_sum3A_44 = arith.constant dense<0.000000e+00> : vector<1024xf32>
    %reduce_sum3A_45 = vector.multi_reduction <add>, %integer_pow3A, %reduce_sum3A_44 [1] : vector<1024x128xf32> to vector<1024xf32>
    %broadcast_in_dim3A_46 = vector.shape_cast %reduce_sum3A_45 : vector<1024xf32> to vector<1024x1xf32>
    %div3A_47 = arith.constant 1.280000e+02 : f32
    %div3A_48 = vector.broadcast %div3A_47 : f32 to vector<1024x1xf32>
    %div3A_49 = arith.divf %broadcast_in_dim3A_46, %div3A_48 : vector<1024x1xf32>
    %sub3A_50 = vector.broadcast %div3A_42 : vector<1024x1xf32> to vector<1024x128xf32>
    %sub3A_51 = arith.subf %add3A_39, %sub3A_50 : vector<1024x128xf32>
    %add3A_52 = arith.constant 9.99999974E-6 : f32
    %add3A_53 = vector.broadcast %add3A_52 : f32 to vector<1024x1xf32>
    %add3A_54 = arith.addf %div3A_49, %add3A_53 : vector<1024x1xf32>
    %rsqrt3A_55 = math.rsqrt %add3A_54 : vector<1024x1xf32>
    %mul3A_56 = vector.broadcast %rsqrt3A_55 : vector<1024x1xf32> to vector<1024x128xf32>
    %mul3A_57 = arith.mulf %sub3A_51, %mul3A_56 : vector<1024x128xf32>
    %max3A = arith.constant 0.000000e+00 : f32
    %max3A_58 = vector.broadcast %max3A : f32 to vector<1024x128xf32>
    %max3A_59 = arith.maximumf %mul3A_57, %max3A_58 : vector<1024x128xf32>
    %get3A_60 = arith.constant 0 : index
    %get3A_61 = arith.constant 0 : index
    %get3A_62 = vector.load %arg5[%get3A_60, %get3A_61] : memref<128x128xf32, #tpu.memory_space<vmem>>, vector<128x128xf32>
    %dot_general3A = arith.constant dense<0.000000e+00> : vector<1024x128xf32>
    %dot_general3A_63 = tpu.matmul %max3A_59, %get3A_62, %dot_general3A {dimension_numbers = #tpu.dot_dimension_numbers<[1], [0], [0], [1], [0, 0, 1, 1], [], []>, transpose_lhs_hint = false} : vector<1024x128xf32>, vector<128x128xf32>, vector<1024x128xf32> -> vector<1024x128xf32>
    %mul3A_64 = vector.broadcast %rsqrt3A : vector<1024x1xf32> to vector<1024x128xf32>
    %mul3A_65 = arith.mulf %dot_general3A_63, %mul3A_64 : vector<1024x128xf32>
    %slice3A = vector.extract_strided_slice %mul3A_65 {offsets = [0, 0], sizes = [1024, 64], strides = [1, 1]} : vector<1024x128xf32> to vector<1024x64xf32>
    %slice3A_66 = vector.extract_strided_slice %mul3A_65 {offsets = [0, 64], sizes = [1024, 64], strides = [1, 1]} : vector<1024x128xf32> to vector<1024x64xf32>
    %swap3A = arith.constant 0 : index
    %swap3A_67 = arith.constant 0 : index
    %swap3A_68 = arith.constant 0 : index
    %swap3A_69 = vector.load %arg6[%swap3A, %swap3A_67, %swap3A_68] : memref<2x1024x64xf32, #tpu.memory_space<vmem>>, vector<1x1024x64xf32>
    %swap3A_70 = vector.shape_cast %swap3A_69 : vector<1x1024x64xf32> to vector<1024x64xf32>
    %swap3A_71 = vector.shape_cast %slice3A : vector<1024x64xf32> to vector<1x1024x64xf32>
    tpu.vector_store %arg6[%swap3A, %swap3A_67, %swap3A_68], %swap3A_71 {strides = array<i32>} : memref<2x1024x64xf32, #tpu.memory_space<vmem>>, vector<1x1024x64xf32>,
    %swap3A_72 = arith.constant 1 : index
    %swap3A_73 = arith.constant 0 : index
    %swap3A_74 = arith.constant 0 : index
    %swap3A_75 = vector.load %arg6[%swap3A_72, %swap3A_73, %swap3A_74] : memref<2x1024x64xf32, #tpu.memory_space<vmem>>, vector<1x1024x64xf32>
    %swap3A_76 = vector.shape_cast %swap3A_75 : vector<1x1024x64xf32> to vector<1024x64xf32>
    %swap3A_77 = vector.shape_cast %slice3A_66 : vector<1024x64xf32> to vector<1x1024x64xf32>
    tpu.vector_store %arg6[%swap3A_72, %swap3A_73, %swap3A_74], %swap3A_77 {strides = array<i32>} : memref<2x1024x64xf32, #tpu.memory_space<vmem>>, vector<1x1024x64xf32>,
    return
  }
  func.func @transform_0(%arg0: i32) -> (i32, i32, i32) {
    %c0_i32 = arith.constant 0 : i32
    %c0_i32_0 = arith.constant 0 : i32
    %c0_i32_1 = arith.constant 0 : i32
    return %c0_i32, %arg0, %c0_i32_0 : i32, i32, i32
  }
  func.func @transform_1(%arg0: i32) -> (i32, i32, i32) {
    %c0_i32 = arith.constant 0 : i32
    %c0_i32_0 = arith.constant 0 : i32
    %c0_i32_1 = arith.constant 0 : i32
    return %c0_i32, %arg0, %c0_i32_0 : i32, i32, i32
  }
  func.func @transform_2(%arg0: i32) -> (i32, i32, i32) {
    %c0_i32 = arith.constant 0 : i32
    %c0_i32_0 = arith.constant 0 : i32
    %c0_i32_1 = arith.constant 0 : i32
    return %c0_i32, %arg0, %c0_i32_0 : i32, i32, i32
  }
  func.func @transform_3(%arg0: i32) -> (i32, i32) {
    %c0_i32 = arith.constant 0 : i32
    %c0_i32_0 = arith.constant 0 : i32
    %c0_i32_1 = arith.constant 0 : i32
    return %c0_i32, %c0_i32_0 : i32, i32
  }
  func.func @transform_4(%arg0: i32) -> (i32, i32) {
    %c0_i32 = arith.constant 0 : i32
    %c0_i32_0 = arith.constant 0 : i32
    %c0_i32_1 = arith.constant 0 : i32
    return %c0_i32, %c0_i32_0 : i32, i32
  }
  func.func @transform_5(%arg0: i32) -> (i32, i32, i32) {
    %c0_i32 = arith.constant 0 : i32
    %c0_i32_0 = arith.constant 0 : i32
    %c0_i32_1 = arith.constant 0 : i32
    return %c0_i32, %arg0, %c0_i32_0 : i32, i32, i32
  }
}

module attributes {stable_mosaic.version = 14 : i64} {
  func.func @body(%arg0: i32, %arg1: memref<2x1024x64xf32, #tpu.memory_space<vmem>>, %arg2: memref<2x1024x64xf32, #tpu.memory_space<vmem>>, %arg3: memref<2x1024x16xf32, #tpu.memory_space<vmem>>, %arg4: memref<1x128xf32, #tpu.memory_space<vmem>>, %arg5: memref<1024x128xf32, #tpu.memory_space<vmem>>) attributes {dimension_semantics = [#tpu.dimension_semantics<arbitrary>], iteration_bounds = array<i64: 10>, scalar_prefetch = 0 : i64, scratch_operands = 0 : i64, tpu.core_type = #tpu.core_type<tc>, window_params = [{transform_indices = @transform_0, window_bounds = array<i64: 2, 1024, 64>}, {transform_indices = @transform_1, window_bounds = array<i64: 2, 1024, 64>}, {transform_indices = @transform_2, window_bounds = array<i64: 2, 1024, 16>}, {pipeline_mode = #tpu.pipeline_mode<synchronous>, transform_indices = @transform_3, window_bounds = array<i64: 1, 128>}, {transform_indices = @transform_4, window_bounds = array<i64: 1024, 128>}]} {
    %get3A = arith.constant 0 : index
    %get3A_0 = arith.constant 0 : index
    %get3A_1 = arith.constant 0 : index
    %get3A_2 = vector.load %arg3[%get3A, %get3A_0, %get3A_1] : memref<2x1024x16xf32, #tpu.memory_space<vmem>>, vector<1x1024x1xf32>
    %get3A_3 = vector.shape_cast %get3A_2 : vector<1x1024x1xf32> to vector<1024x1xf32>
    %get3A_4 = arith.constant 1 : index
    %get3A_5 = arith.constant 0 : index
    %get3A_6 = arith.constant 0 : index
    %get3A_7 = vector.load %arg3[%get3A_4, %get3A_5, %get3A_6] : memref<2x1024x16xf32, #tpu.memory_space<vmem>>, vector<1x1024x1xf32>
    %get3A_8 = vector.shape_cast %get3A_7 : vector<1x1024x1xf32> to vector<1024x1xf32>
    %add3A = arith.addf %get3A_3, %get3A_8 : vector<1024x1xf32>
    %add3A_9 = arith.constant 1.000000e+00 : f32
    %add3A_10 = vector.broadcast %add3A_9 : f32 to vector<1024x1xf32>
    %add3A_11 = arith.addf %add3A, %add3A_10 : vector<1024x1xf32>
    %rsqrt3A = math.rsqrt %add3A_11 : vector<1024x1xf32>
    %get3A_12 = arith.constant 0 : index
    %get3A_13 = arith.constant 0 : index
    %get3A_14 = arith.constant 0 : index
    %get3A_15 = vector.load %arg1[%get3A_12, %get3A_13, %get3A_14] : memref<2x1024x64xf32, #tpu.memory_space<vmem>>, vector<1x1024x64xf32>
    %get3A_16 = vector.shape_cast %get3A_15 : vector<1x1024x64xf32> to vector<1024x64xf32>
    %get3A_17 = arith.constant 1 : index
    %get3A_18 = arith.constant 0 : index
    %get3A_19 = arith.constant 0 : index
    %get3A_20 = vector.load %arg1[%get3A_17, %get3A_18, %get3A_19] : memref<2x1024x64xf32, #tpu.memory_space<vmem>>, vector<1x1024x64xf32>
    %get3A_21 = vector.shape_cast %get3A_20 : vector<1x1024x64xf32> to vector<1024x64xf32>
    %concatenate3A = tpu.concatenate %get3A_16, %get3A_21 in 1 : vector<1024x64xf32>, vector<1024x64xf32> -> vector<1024x128xf32>
    %get3A_22 = arith.constant 0 : index
    %get3A_23 = arith.constant 0 : index
    %get3A_24 = arith.constant 0 : index
    %get3A_25 = vector.load %arg2[%get3A_22, %get3A_23, %get3A_24] : memref<2x1024x64xf32, #tpu.memory_space<vmem>>, vector<1x1024x64xf32>
    %get3A_26 = vector.shape_cast %get3A_25 : vector<1x1024x64xf32> to vector<1024x64xf32>
    %get3A_27 = arith.constant 1 : index
    %get3A_28 = arith.constant 0 : index
    %get3A_29 = arith.constant 0 : index
    %get3A_30 = vector.load %arg2[%get3A_27, %get3A_28, %get3A_29] : memref<2x1024x64xf32, #tpu.memory_space<vmem>>, vector<1x1024x64xf32>
    %get3A_31 = vector.shape_cast %get3A_30 : vector<1x1024x64xf32> to vector<1024x64xf32>
    %concatenate3A_32 = tpu.concatenate %get3A_26, %get3A_31 in 1 : vector<1024x64xf32>, vector<1024x64xf32> -> vector<1024x128xf32>
    %add3A_33 = arith.addf %concatenate3A, %concatenate3A_32 : vector<1024x128xf32>
    %mul3A = vector.broadcast %rsqrt3A : vector<1024x1xf32> to vector<1024x128xf32>
    %mul3A_34 = arith.mulf %add3A_33, %mul3A : vector<1024x128xf32>
    %get3A_35 = arith.constant 0 : index
    %get3A_36 = arith.constant 0 : index
    %get3A_37 = vector.load %arg4[%get3A_35, %get3A_36] : memref<1x128xf32, #tpu.memory_space<vmem>>, vector<1x128xf32>
    %add3A_38 = vector.broadcast %get3A_37 : vector<1x128xf32> to vector<1024x128xf32>
    %add3A_39 = arith.addf %mul3A_34, %add3A_38 : vector<1024x128xf32>
    %reduce_sum3A = arith.constant dense<0.000000e+00> : vector<1024xf32>
    %reduce_sum3A_40 = vector.multi_reduction <add>, %add3A_39, %reduce_sum3A [1] : vector<1024x128xf32> to vector<1024xf32>
    %broadcast_in_dim3A = vector.shape_cast %reduce_sum3A_40 : vector<1024xf32> to vector<1024x1xf32>
    %div3A = arith.constant 1.280000e+02 : f32
    %div3A_41 = vector.broadcast %div3A : f32 to vector<1024x1xf32>
    %div3A_42 = arith.divf %broadcast_in_dim3A, %div3A_41 : vector<1024x1xf32>
    %sub3A = vector.broadcast %div3A_42 : vector<1024x1xf32> to vector<1024x128xf32>
    %sub3A_43 = arith.subf %add3A_39, %sub3A : vector<1024x128xf32>
    %integer_pow3A = arith.mulf %sub3A_43, %sub3A_43 : vector<1024x128xf32>
    %reduce_sum3A_44 = arith.constant dense<0.000000e+00> : vector<1024xf32>
    %reduce_sum3A_45 = vector.multi_reduction <add>, %integer_pow3A, %reduce_sum3A_44 [1] : vector<1024x128xf32> to vector<1024xf32>
    %broadcast_in_dim3A_46 = vector.shape_cast %reduce_sum3A_45 : vector<1024xf32> to vector<1024x1xf32>
    %div3A_47 = arith.constant 1.280000e+02 : f32
    %div3A_48 = vector.broadcast %div3A_47 : f32 to vector<1024x1xf32>
    %div3A_49 = arith.divf %broadcast_in_dim3A_46, %div3A_48 : vector<1024x1xf32>
    %sub3A_50 = vector.broadcast %div3A_42 : vector<1024x1xf32> to vector<1024x128xf32>
    %sub3A_51 = arith.subf %add3A_39, %sub3A_50 : vector<1024x128xf32>
    %add3A_52 = arith.constant 9.99999974E-6 : f32
    %add3A_53 = vector.broadcast %add3A_52 : f32 to vector<1024x1xf32>
    %add3A_54 = arith.addf %div3A_49, %add3A_53 : vector<1024x1xf32>
    %rsqrt3A_55 = math.rsqrt %add3A_54 : vector<1024x1xf32>
    %mul3A_56 = vector.broadcast %rsqrt3A_55 : vector<1024x1xf32> to vector<1024x128xf32>
    %mul3A_57 = arith.mulf %sub3A_51, %mul3A_56 : vector<1024x128xf32>
    %max3A = arith.constant 0.000000e+00 : f32
    %max3A_58 = vector.broadcast %max3A : f32 to vector<1024x128xf32>
    %max3A_59 = arith.maximumf %mul3A_57, %max3A_58 : vector<1024x128xf32>
    %swap3A = arith.constant 0 : index
    %swap3A_60 = arith.constant 0 : index
    %swap3A_61 = vector.load %arg5[%swap3A, %swap3A_60] : memref<1024x128xf32, #tpu.memory_space<vmem>>, vector<1024x128xf32>
    tpu.vector_store %arg5[%swap3A, %swap3A_60], %max3A_59 {strides = array<i32>} : memref<1024x128xf32, #tpu.memory_space<vmem>>, vector<1024x128xf32>,
    return
  }
  func.func @transform_0(%arg0: i32) -> (i32, i32, i32) {
    %c0_i32 = arith.constant 0 : i32
    %c0_i32_0 = arith.constant 0 : i32
    %c0_i32_1 = arith.constant 0 : i32
    return %c0_i32, %arg0, %c0_i32_0 : i32, i32, i32
  }
  func.func @transform_1(%arg0: i32) -> (i32, i32, i32) {
    %c0_i32 = arith.constant 0 : i32
    %c0_i32_0 = arith.constant 0 : i32
    %c0_i32_1 = arith.constant 0 : i32
    return %c0_i32, %arg0, %c0_i32_0 : i32, i32, i32
  }
  func.func @transform_2(%arg0: i32) -> (i32, i32, i32) {
    %c0_i32 = arith.constant 0 : i32
    %c0_i32_0 = arith.constant 0 : i32
    %c0_i32_1 = arith.constant 0 : i32
    return %c0_i32, %arg0, %c0_i32_0 : i32, i32, i32
  }
  func.func @transform_3(%arg0: i32) -> (i32, i32) {
    %c0_i32 = arith.constant 0 : i32
    %c0_i32_0 = arith.constant 0 : i32
    %c0_i32_1 = arith.constant 0 : i32
    return %c0_i32, %c0_i32_0 : i32, i32
  }
  func.func @transform_4(%arg0: i32) -> (i32, i32) {
    %c0_i32 = arith.constant 0 : i32
    %c0_i32_0 = arith.constant 0 : i32
    return %arg0, %c0_i32 : i32, i32
  }
}

</mosaic_0001>

<sc_bundles>
// kernel: kernel.11.cloned.1.call-start
scs
__scs_entry_jumppad:
0x0: {  	(pc) =	sbr.rel $0x88, $3  }
0x1: {  	(tag) =	ssettag $0x0;
	lr =	simm.s32 $0x1  }
0x2: {  	[smem:$0x3F9B] =	sst lr;
	_ =	strace $0xD0000000  }
0x3: {  	_ = 	snop  }
0x4: {  	_ = 	snop  }
0x5: {  	_ = 	snop  }
0x6: {  	_ = 	snop  }
0x7: {  	_ = 	snop  }
__scs_overlays_trampoline_lowered:
0x8: {  	[smem:$0x3FAA] =	sst s0  }
0x9: {  	[smem:$0x3FAB] =	sst s1  }
0xa: {  	[smem:$0x3FAC] =	sst s2  }
0xb: {  	[smem:$0x3FAD] =	sst s3  }
0xc: {  	[smem:$0x3FAE] =	sst s4  }
0xd: {  	[smem:$0x3FAF] =	sst s5  }
0xe: {  	[smem:$0x3FB0] =	sst s6  }
0xf: {  	[smem:$0x3FB1] =	sst s7  }
0x10: {  	[smem:$0x3FB2] =	sst s8  }
0x11: {  	[smem:$0x3FB3] =	sst s9;
	s0 =	simm.s32 @!p0 $0x0  }
0x12: {  	s1 =	sld [smem:$0x3F99];
	s0 =	simm.s32 @p0 $0x1  }
0x13: {  	[smem:$0x3FB4] =	sst s0;
	s0 =	simm.s32 @!p1 $0x0  }
0x14: {  	s2 =	sld [smem:$0x3F98];
	s0 =	simm.s32 @p1 $0x1  }
0x15: {  	[smem:$0x3FB5] =	sst s0;
	s0 =	simm.s32 @!p2 $0x0  }
0x16: {  	s3 =	sld [smem:$0x3FDB];
	s0 =	simm.s32 @p2 $0x1  }
0x17: {  	s4 =	simm.s32 $0x1BF5;
	[smem:$0x3FB7] =	sst s0  }
0x18: {  	s0 =	sld [smem:$0x3F9A];
	_ =	swait.ge [sflag:s4], $0x0  }
0x19: {  	s7 =	sld [smem:$0x3F9B]  }
0x1a: {  	s8 =	sadd.s32 $0xFFFFE003, lr  }
0x1b: {  	s9 =	sadd.s32 $0xFFFFFEF7, lr;
	s5 =	simm.s32 $0xFFFFFFFF;
	p2 =	slt.u32 s8, $0xFFFFF086  }
0x1c: {  	p1 =	slt.u32 s9, $0xF7A;
	s5 =	simm.s32 @!p2 $0x0  }
0x1d: {  	s5 =	simm.s32 @p1 $0x1;
	p0 =	seq.s32 s7, s2  }
0x1e: {  	s7 =	smul.u32 @!p0 $0xF7A, s2;
	p2 =	seq.s32 @!p0 s5, $0x0  }
0x1f: {  	s9 =	smul.u32 $0xF7A, s1;
	s8 =	simm.s32 @!p0 $0x1BF5;
	p2 =	por !p2, p0  }
0x20: {  	[sflag:s8] =	ssyncset.s32 @!p0 $0xFFFFF086;
	s6 =	sadd.s32 @!p0 s3, s7;
	s7 =	simm.s32 @!p0 $0x108  }
0x21: {  	s3 =	sadd.s32 s3, s9;
	s6 =	sadd.s32 @!p0 $0x88, s6;
	s7 =	simm.s32 @p2 $0x1082  }
0x22: {  	[simem:s7], [sflag:s8] =	dma.local @!p0 [hbm:s6], $0xF7A  }
0x23: {  	s9 =	sor.u32 $0xD0000000, s2;
	s6 =	simm.s32 $0x108;
	_ =	swait.ge @!p0 [sflag:s8], $0x0  }
0x24: {  	s3 =	sadd.s32 $0x88, s3;
	s6 =	simm.s32 @!p1 $0x1082;
	[sflag:s4] =	ssyncset.s32 $0xFFFFF086  }
0x25: {  	[simem:s6], [sflag:s4] =	dma.local [hbm:s3], $0xF7A  }
0x26: {  	[smem:$0x3F9B] =	sst s1;
	(tag) =	ssettag s2;
	_ =	strace s9  }
0x27: {  	s1 =	sld [smem:$0x3FAB]  }
0x28: {  	s2 =	sld [smem:$0x3FAC]  }
0x29: {  	s4 =	sld [smem:$0x3FAE]  }
0x2a: {  	p0 =	seq.s32 s5, $0x0;
	s5 =	sld [smem:$0x3FAF]  }
0x2b: {  	s6 =	sld [smem:$0x3FB0]  }
0x2c: {  	s7 =	sld [smem:$0x3FB1]  }
0x2d: {  	s3 =	simm.s32 $0x108;
	s8 =	sld [smem:$0x3FB2]  }
0x2e: {  	s3 =	simm.s32 @!p0 $0x1082;
	s9 =	sld [smem:$0x3FB3]  }
0x2f: {  	lr =	sadd.s32 s0, s3;
	s0 =	sld [smem:$0x3FAA]  }
0x30: {  	s3 =	sld [smem:$0x3FAD]  }
0x31: {  	[smem:$0x3FB6] =	sst s10  }
0x32: {  	s10 =	sld [smem:$0x3FB4];
	_ =	sdelay $0x3  }
0x33: {  	p0 =	seq.s32 s10, $0x1;
	s10 =	sld [smem:$0x3FB6];
	_ =	sdelay $0x3  }
0x34: {  	[smem:$0x3FB6] =	sst s10  }
0x35: {  	s10 =	sld [smem:$0x3FB5];
	_ =	sdelay $0x3  }
0x36: {  	p1 =	seq.s32 s10, $0x1;
	s10 =	sld [smem:$0x3FB6];
	_ =	sdelay $0x3  }
0x37: {  	[smem:$0x3FB6] =	sst s10  }
0x38: {  	s10 =	sld [smem:$0x3FB7]  }
0x39: {  	_ = 	snop;
	(pc) =	sbr.ind lr, $3  }
0x3a: {  	_ = 	snop  }
0x3b: {  	_ = 	snop  }
0x3c: {  	p2 =	seq.s32 s10, $0x1;
	s10 =	sld [smem:$0x3FB6]  }
0x3d: {  	_ =	shalt  }
0x3e: {  	_ =	shalt  }
0x3f: {  	_ =	shalt  }
0x40: {  	_ =	shalt  }
0x41: {  	_ =	shalt  }
0x42: {  	_ =	shalt  }
0x43: {  	_ =	shalt  }
0x44: {  	_ =	shalt  }
0x45: {  	_ =	shalt  }
0x46: {  	_ =	shalt  }
0x47: {  	_ =	shalt  }
0x48: {  	_ =	shalt  }
0x49: {  	_ =	shalt  }
0x4a: {  	_ =	shalt  }
0x4b: {  	_ =	shalt  }
0x4c: {  	_ =	shalt  }
0x4d: {  	_ =	shalt  }
0x4e: {  	_ =	shalt  }
0x4f: {  	_ =	shalt  }
0x50: {  	_ =	shalt  }
0x51: {  	_ =	shalt  }
0x52: {  	_ =	shalt  }
0x53: {  	_ =	shalt  }
0x54: {  	_ =	shalt  }
0x55: {  	_ =	shalt  }
0x56: {  	_ =	shalt  }
0x57: {  	_ =	shalt  }
0x58: {  	_ =	shalt  }
0x59: {  	_ =	shalt  }
0x5a: {  	_ =	shalt  }
0x5b: {  	_ =	shalt  }
0x5c: {  	_ =	shalt  }
0x5d: {  	_ =	shalt  }
0x5e: {  	_ =	shalt  }
0x5f: {  	_ =	shalt  }
0x60: {  	_ =	shalt  }
0x61: {  	_ =	shalt  }
0x62: {  	_ =	shalt  }
0x63: {  	_ =	shalt  }
0x64: {  	_ =	shalt  }
0x65: {  	_ =	shalt  }
0x66: {  	_ =	shalt  }
0x67: {  	_ =	shalt  }
0x68: {  	_ =	shalt  }
0x69: {  	_ =	shalt  }
0x6a: {  	_ =	shalt  }
0x6b: {  	_ =	shalt  }
0x6c: {  	_ =	shalt  }
0x6d: {  	_ =	shalt  }
0x6e: {  	_ =	shalt  }
0x6f: {  	_ =	shalt  }
0x70: {  	_ =	shalt  }
0x71: {  	_ =	shalt  }
0x72: {  	_ =	shalt  }
0x73: {  	_ =	shalt  }
0x74: {  	_ =	shalt  }
0x75: {  	_ =	shalt  }
0x76: {  	_ =	shalt  }
0x77: {  	_ =	shalt  }
0x78: {  	_ =	shalt  }
0x79: {  	_ =	shalt  }
0x7a: {  	_ =	shalt  }
0x7b: {  	_ =	shalt  }
0x7c: {  	_ =	shalt  }
0x7d: {  	_ =	shalt  }
0x7e: {  	_ =	shalt  }
0x7f: {  	_ =	shalt  }
0x80: {  	_ =	shalt  }
0x81: {  	_ =	shalt  }
0x82: {  	_ =	shalt  }
0x83: {  	_ =	shalt  }
0x84: {  	_ =	shalt  }
0x85: {  	_ =	shalt  }
0x86: {  	_ =	shalt  }
0x87: {  	_ =	shalt  }
.Lfunc_end0:
.L_simem_size_0:
called_computation.1_lowered:
.L_overlay_start_0:
0x88: {  	s2 =	sld [smem:$0x3FD9]  }
0x89: {  	s3 =	sld [smem:$0x3FFE];
	_ =	sdelay $0x1  }
0x8a: {  	s1 =	srdreg.scid  }
0x8b: {  	s0 =	sand.u32 $0x1, s1  }
0x8c: {  	s17 =	sshll.u32 s0, $0xA;
	s2 =	sadd.s32 s3, s2  }
0x8d: {  	s2 =	sadd.s32 s2, s17  }
0x8e: {  	[smem:$0x3FC2] =	sst s2  }
0x8f: {  	_ = 	snop  }
0x90: {  	s2 =	sld [smem:$0x3FD0];
	(tm) =	ssettm $0x1  }
0x91: {  	s18 =	sld [smem:$0x3FFB];
	_ =	sdelay $0x3  }
0x92: {  	_ =	strace s18  }
0x93: {  	s3 =	sld [smem:$0x3FFC];
	_ =	sdelay $0x3  }
0x94: {  	_ =	strace s3  }
0x95: {  	s3 =	sld [smem:$0x3FFD];
	_ =	sdelay $0x3  }
0x96: {  	_ =	strace s3  }
0x97: {  	_ =	strace $0x8FFFFFFF  }
0x98: {  	s19 =	sld [smem:$0x3FDB];
	_ =	sdelay $0x1  }
0x99: {  	s4 =	simm.s32 $_scs_section_size  }
0x9a: {  	s5 =	simm.s32 $_size__tile_overlayer_lowered;
	s6 =	simm.s32 $_tile_overlayer_lowered  }
0x9b: {  	s22 =	simm.s32 $0x1BFF;
	s21 =	sshll.u32 s6, $0x1;
	s3 =	sadd.s32 s4, s19  }
0x9c: {  	s7 =	simm.s32 $0x0;
	s20 =	sshll.u32 s5, $0x1;
	s5 =	sadd.s32 s21, s3  }
0x9d: {  	[timem:s7], [sflag:s22] =	dma.local [hbm:s5], s20  }
0x9e: {  	_ =	swait.ge [sflag:s22], s20  }
0x9f: {  	s4 =	ssub.s32 $0x0, s20;
	[sflag:s22] =	ssyncset.done $0x0  }
0xa0: {  	[sflag:s22] =	ssyncadd.s32 s4;
	_ =	sdelay $0x1  }
0xa1: {  	s23 =	simm.s32 $0x1B8B  }
0xa2: {  	_ =	swait.ge [sflag:s23], $0x1  }
0xa3: {  	[sflag:s23] =	ssyncset.done $0x0  }
0xa4: {  	s25 =	simm.s32 $0x1B8E;
	s24 =	sld [smem:$0x3FFE];
	[sflag:s23] =	ssyncadd.s32 $0xFFFFFFFF  }
0xa5: {  	s26 =	simm.s32 $execute0_lowered;
	[smem:$0x3FD2] =	sst s25  }
0xa6: {  	s5 =	sshll.u32 s26, $0x1;
	_ =	strace $0x80000049;
	[dreg:$0x1] =	wrdreg $0xFFFFFFFF  }
0xa7: {  	s28 =	simm.s32 $_size_execute0_lowered;
	s3 =	sadd.s32 s3, s5;
	[dreg:$0x0] =	wrdreg $0x0  }
0xa8: {  	s5 =	sshll.u32 s28, $0x1;
	[dreg:$0x2] =	wrdreg s3  }
0xa9: {  	[dreg:$0x3] =	wrdreg s5  }
0xaa: {  	[dreg:$0x4] =	wrdreg $0xC0  }
0xab: {  	_ =	task [dreg:s7], $0x5FFFF  }
0xac: {  	[dreg:$0x1] =	wrdreg $0xFFFFFFFF  }
0xad: {  	[dreg:$0x0] =	wrdreg $0x60  }
0xae: {  	[dreg:$0x2] =	wrdreg s24  }
0xaf: {  	[dreg:$0x3] =	wrdreg s2  }
0xb0: {  	[dreg:$0x4] =	wrdreg $0x120000  }
0xb1: {  	[dreg:$0x5] =	wrdreg $0x9  }
0xb2: {  	_ =	task.clear_ibuf [dreg:s7], $0x6FFFF;
	_ =	strace $0x90000049  }
0xb3: {  	s29 =	simm.s32 $0x9;
	_ =	strace $0x8000004B  }
0xb4: {  	_ =	swait.ge [sflag:s29], $0x1  }
0xb5: {  	[sflag:s29] =	ssyncadd.s32 $0xFFFFFFFF  }
0xb6: {  	_ =	strace $0x9000004B  }
0xb7: {  	_ =	sfence  }
0xb8: {  	s30 =	sld [smem:$0x0];
	_ =	sdelay $0x2  }
0xb9: {  	s31 =	sshll.u32 s1, $0xD;
	s1 =	sshrl.u32 s1, $0x2  }
0xba: {  	s3 =	sand.u32 $0x4000, s31;
	s1 =	sadd.s32 s1, s30  }
0xbb: {  	s0 =	sor.u32 s3, s0;
	s1 =	sshll.u32 s1, $0x11  }
0xbc: {  	s0 =	sor.u32 s1, s0  }
0xbd: {  	s0 =	sadd.s32 $0x8F2B, s0  }
0xbe: {  	[sflag:s0] =	ssyncadd.remote.s32 $0x1  }
0xbf: {  	_ =	sfence.sel $0xFFFF  }
0xc0: {  	[dreg:$0x0] =	wrdreg $0xFFFFFFFF;
	(pc) =	sbr.abs _section_cstart, $3  }
0xc1: {  	[dreg:$0x1] =	wrdreg $0xFFFFFFFF  }
0xc2: {  	_ =	task.clear_ibuf [dreg:s7], $0x2FFFF;
	_ =	strace $0x9FFFFFFF  }
0xc3: {  	(tm) =	ssettm $0x7FFFFFFF  }
tec
execute0_lowered:
.L_overlay_start_1:
0x0: {  	(tag) =	ssettag $0x1  }
0x1: {  	s0 =	rddreg [dreg:$0x0]  }
0x2: {  	s1 =	rddreg [dreg:$0x1]  }
0x3: {  	s2 =	rddreg [dreg:$0x2];
	s4 =	srdreg.scid;
	s3 =	simm.s32 $0x0  }
0x4: {  	s11 =	stileid.u32;
	s28 =	simm.s32 $0xC000;
	s29 =	simm.s32 $0xE000  }
0x5: {  	s30 =	simm.s32 $0x10000;
	s31 =	simm.s32 $0x1;
	s5 =	sand.u32 $0x1, s4  }
0x6: {  	[smem:$0x7FF] =	sst s3;
	s6 =	smul.u32 $0xA00, s11;
	s8 =	sadd.s32 $0xB800, s0  }
0x7: {  	s9 =	smul.u32 $0x28000, s11;
	s4 =	sshll.u32 s5, $0x4;
	_ =	strace $0x8000004A  }
0x8: {  	[dreg:$0x4] =	wrdreg s8;
	s25 =	ssub.s32 $0x2, s5;
	s5 =	smul.u32 $0x2800, s5  }
0x9: {  	s7 =	sor.u32 s11, s4;
	s4 =	sadd.s32 $0xB6000, s0;
	s6 =	sadd.s32 s6, s0  }
0xa: {  	s0 =	sadd.s32 $0xDE000, s0;
	s10 =	sshrl.u32 s25, $0x1;
	s11 =	smul.u32 $0x280, s11  }
0xb: {  	s26 =	sshrl.u32 s9, $0x2;
	s7 =	smul.u32 $0xA00, s7;
	s9 =	sadd.s32 $0x1800, s6  }
0xc: {  	s10 =	ssub.s32 s25, s10;
	s8 =	sadd.s32 s26, s2;
	[dreg:$0x6] =	wrdreg s9  }
0xd: {  	s12 =	smax.u32 s10, $0x1;
	s13 =	sadd.s32 $0x2000, s8;
	s14 =	sadd.s32 s5, s11  }
0xe: {  	s15 =	sadd.s32 $0x4000, s8;
	s16 =	sadd.s32 $0x6000, s8;
	[dreg:$0x7] =	wrdreg s12  }
0xf: {  	s17 =	sadd.s32 $0x8000, s8;
	s18 =	sadd.s32 $0x80, s11;
	[dreg:$0x8] =	wrdreg s13  }
0x10: {  	s20 =	sadd.s32 $0x100, s11;
	s23 =	sadd.s32 $0x180, s11;
	[dreg:$0x9] =	wrdreg s15  }
0x11: {  	s25 =	sadd.s32 $0x200, s11;
	s9 =	simm.s32 $0x8;
	[dreg:$0xa] =	wrdreg s16  }
0x12: {  	s10 =	simm.s32 $0x0;
	s1 =	sadd.s32 s1, s7;
	[dreg:$0xb] =	wrdreg s17  }
0x13: {  	s19 =	sshll.u32 s18, $0x6;
	s21 =	sadd.s32 s5, s20;
	s22 =	sshll.u32 s20, $0x6  }
0x14: {  	s24 =	sshll.u32 s23, $0x6;
	s26 =	sshll.u32 s25, $0x6;
	s7 =	simm.s32 $0x7  }
0x15: {  	[dreg:$0x5] =	wrdreg s1;
	s1 =	sshll.u32 s14, $0x3;
	s15 =	sadd.s32 s19, s2  }
0x16: {  	s6 =	sshll.u32 s21, $0x3;
	s17 =	sadd.s32 s22, s2;
	s19 =	sadd.s32 s24, s2  }
0x17: {  	s21 =	sadd.s32 s26, s2;
	s26 =	simm.s32 $0x80;
	s1 =	sadd.s32 s0, s1  }
0x18: {  	s24 =	simm.s32 $0x4;
	[dreg:$0xc] =	wrdreg s1;
	s1 =	sadd.s32 s5, s18  }
0x19: {  	s18 =	sadd.s32 s0, s6;
	s6 =	simm.s32 $0x6;
	s1 =	sshll.u32 s1, $0x3  }
0x1a: {  	s16 =	sadd.s32 s0, s1;
	s1 =	sadd.s32 s5, s23;
	s5 =	sadd.s32 s5, s25  }
0x1b: {  	s23 =	simm.s32 $0x9;
	s1 =	sshll.u32 s1, $0x3;
	s5 =	sshll.u32 s5, $0x3  }
0x1c: {  	s25 =	simm.s32 $0xA000;
	s20 =	sadd.s32 s0, s1;
	s22 =	sadd.s32 s0, s5  }
0x1d: {  	s0 =	simm.s32 $0x2;
	s1 =	simm.s32 $0x3;
	s5 =	simm.s32 $0x5  }
.LBB2_1:
0x1e: {  	s11 =	rddreg [dreg:$0x5]  }
0x1f: {  	[tilespmem:s3], [sflag:$0x9] =	stream.linear.gather [hbm4b:s11+s3], $0x5000, $0x38;
	[tilespmem:$0x1C000] =	vst v63  }
0x20: {  	_ =	swait.ge [sflag:s23], $0x5000  }
0x21: {  	[sflag:s23] =	ssyncset.done $0x0  }
0x22: {  	s12 =	simm.s32 $0x5000;
	s13 =	rddreg [dreg:$0x6];
	[sflag:s23] =	ssyncadd.s32 $0xFFFFB000  }
0x23: {  	[tilespmem:s12], [sflag:$0x9] =	stream.linear.gather [hbm4b:s13+s3], $0x5000, $0x38;
	[tilespmem:$0x1C000] =	vst v63  }
0x24: {  	_ =	swait.ge [sflag:s23], $0x5000  }
0x25: {  	[sflag:s23] =	ssyncset.done $0x0  }
0x26: {  	s14 =	rddreg [dreg:$0x4];
	[sflag:s23] =	ssyncadd.s32 $0xFFFFB000  }
0x27: {  	[tilespmem:s25], [sflag:$0x9] =	stream.linear.gather [hbm4b:s14+s3], $0x2000, $0x38;
	[tilespmem:$0x1C000] =	vst v63  }
0x28: {  	_ =	swait.ge [sflag:s23], $0x2000  }
0x29: {  	[sflag:s23] =	ssyncset.done $0x0  }
0x2a: {  	[sflag:s23] =	ssyncadd.s32 $0xFFFFE000  }
0x2b: {  	[spmem:s8] =	stream.linear.scatter [tilespmem:s25], [sflag:$0x9], $0x2000, $0x38;
	[tilespmem:$0x1C000] =	vst v63  }
0x2c: {  	_ =	swait.ge [sflag:s23], $0x2000  }
0x2d: {  	[sflag:s23] =	ssyncset.done $0x0  }
0x2e: {  	s12 =	rddreg [dreg:$0x8];
	[sflag:s23] =	ssyncadd.s32 $0xFFFFE000  }
0x2f: {  	[spmem:s12] =	stream.linear.scatter [tilespmem:s25], [sflag:$0x9], $0x2000, $0x38;
	[tilespmem:$0x1C000] =	vst v63  }
0x30: {  	_ =	swait.ge [sflag:s23], $0x2000  }
0x31: {  	[sflag:s23] =	ssyncset.done $0x0  }
0x32: {  	s13 =	rddreg [dreg:$0x9];
	[sflag:s23] =	ssyncadd.s32 $0xFFFFE000  }
0x33: {  	[spmem:s13] =	stream.linear.scatter [tilespmem:s25], [sflag:$0x9], $0x2000, $0x38;
	[tilespmem:$0x1C000] =	vst v63  }
0x34: {  	_ =	swait.ge [sflag:s23], $0x2000  }
0x35: {  	[sflag:s23] =	ssyncset.done $0x0  }
0x36: {  	s14 =	rddreg [dreg:$0xa];
	[sflag:s23] =	ssyncadd.s32 $0xFFFFE000  }
0x37: {  	[spmem:s14] =	stream.linear.scatter [tilespmem:s25], [sflag:$0x9], $0x2000, $0x38;
	[tilespmem:$0x1C000] =	vst v63  }
0x38: {  	_ =	swait.ge [sflag:s23], $0x2000  }
0x39: {  	[sflag:s23] =	ssyncset.done $0x0  }
0x3a: {  	s12 =	rddreg [dreg:$0xb];
	[sflag:s23] =	ssyncadd.s32 $0xFFFFE000  }
0x3b: {  	[spmem:s12] =	stream.linear.scatter [tilespmem:s25], [sflag:$0x9], $0x2000, $0x38;
	[tilespmem:$0x1C000] =	vst v63  }
0x3c: {  	_ =	swait.ge [sflag:s23], $0x2000  }
0x3d: {  	[sflag:s23] =	ssyncset.done $0x0  }
0x3e: {  	[sflag:s23] =	ssyncadd.s32 $0xFFFFE000  }
0x3f: {  	s13 =	simm.s32 $0x0;
	[bflag:$0x0] =	sbarrier.arrive $0xFFFF  }
0x40: {  	[tilespmem:s25], [sflag:$0x1] =	stream.indirect.gather [hbm4b:s4+s26], $0x40, s13, s26, $0xb8;
	[tilespmem:$0x1C000] =	vst v63  }
0x41: {  	s14 =	simm.s32 $0x80  }
0x42: {  	[tilespmem:s28], [sflag:$0x2] =	stream.indirect.gather [hbm4b:s4+s26], $0x40, s14, s26, $0xb8;
	[tilespmem:$0x1C000] =	vst v63  }
0x43: {  	s12 =	simm.s32 $0x100  }
0x44: {  	[tilespmem:s29], [sflag:$0x3] =	stream.indirect.gather [hbm4b:s4+s26], $0x40, s12, s26, $0xb8;
	[tilespmem:$0x1C000] =	vst v63  }
0x45: {  	s13 =	simm.s32 $0x180  }
0x46: {  	[tilespmem:s30], [sflag:$0x4] =	stream.indirect.gather [hbm4b:s4+s26], $0x40, s13, s26, $0xb8;
	[tilespmem:$0x1C000] =	vst v63  }
0x47: {  	_ =	swait.ge [sflag:s31], $0x2000  }
0x48: {  	[sflag:s31] =	ssyncset.done $0x0  }
0x49: {  	s14 =	simm.s32 $0x5000;
	[sflag:s31] =	ssyncadd.s32 $0xFFFFE000  }
0x4a: {  	[spmem:s2] =	stream.indirect.scatter.add.f32 [tilespmem:s25], [sflag:$0x5], $0x40, s14, s26, $0xb8;
	[tilespmem:$0x1C000] =	vst v63  }
0x4b: {  	_ =	swait.ge [sflag:s0], $0x2000  }
0x4c: {  	[sflag:s0] =	ssyncset.done $0x0  }
0x4d: {  	s12 =	simm.s32 $0x5080;
	[sflag:s0] =	ssyncadd.s32 $0xFFFFE000  }
0x4e: {  	[spmem:s2] =	stream.indirect.scatter.add.f32 [tilespmem:s28], [sflag:$0x6], $0x40, s12, s26, $0xb8;
	[tilespmem:$0x1C000] =	vst v63  }
0x4f: {  	_ =	swait.ge [sflag:s1], $0x2000  }
0x50: {  	[sflag:s1] =	ssyncset.done $0x0  }
0x51: {  	s13 =	simm.s32 $0x5100;
	[sflag:s1] =	ssyncadd.s32 $0xFFFFE000  }
0x52: {  	[spmem:s2] =	stream.indirect.scatter.add.f32 [tilespmem:s29], [sflag:$0x7], $0x40, s13, s26, $0xb8;
	[tilespmem:$0x1C000] =	vst v63  }
0x53: {  	_ =	swait.ge [sflag:s24], $0x2000  }
0x54: {  	[sflag:s24] =	ssyncset.done $0x0  }
0x55: {  	s14 =	simm.s32 $0x5180;
	[sflag:s24] =	ssyncadd.s32 $0xFFFFE000  }
0x56: {  	[spmem:s2] =	stream.indirect.scatter.add.f32 [tilespmem:s30], [sflag:$0x8], $0x40, s14, s26, $0xb8;
	[tilespmem:$0x1C000] =	vst v63  }
0x57: {  	_ =	swait.ge [sflag:s5], $0x2000  }
0x58: {  	[sflag:s5] =	ssyncset.done $0x0  }
0x59: {  	[sflag:s5] =	ssyncadd.s32 $0xFFFFE000  }
0x5a: {  	_ =	swait.ge [sflag:s6], $0x2000  }
0x5b: {  	[sflag:s6] =	ssyncset.done $0x0  }
0x5c: {  	[sflag:s6] =	ssyncadd.s32 $0xFFFFE000  }
0x5d: {  	_ =	swait.ge [sflag:s7], $0x2000  }
0x5e: {  	[sflag:s7] =	ssyncset.done $0x0  }
0x5f: {  	[sflag:s7] =	ssyncadd.s32 $0xFFFFE000  }
0x60: {  	_ =	swait.ge [sflag:s9], $0x2000  }
0x61: {  	s11 =	simm.s32 $0x800;
	s12 =	simm.s32 $0x1000;
	[sflag:s9] =	ssyncset.done $0x0  }
.LBB2_2:
0x62: {  	s14 =	sshra.s32 s11, $0x2  }
0x63: {  	[sflag:s9] =	ssyncadd.s32 $0xFFFFE000;
	s11 =	smov.u32 s12;
	s13 =	sadd.s32 $0x800, s12  }
0x64: {  	[tilespmem:s25], [sflag:$0x1] =	stream.indirect.gather [hbm4b:s4+s26], $0x40, s14, s26, $0xb8;
	[tilespmem:$0x1C000] =	vst v63  }
0x65: {  	p0 =	sne.s32 s12, $0x13800;
	s12 =	sadd.s32 $0x80, s14  }
0x66: {  	[tilespmem:s28], [sflag:$0x2] =	stream.indirect.gather [hbm4b:s4+s26], $0x40, s12, s26, $0xb8;
	[tilespmem:$0x1C000] =	vst v63  }
0x67: {  	s12 =	sadd.s32 $0x100, s14  }
0x68: {  	[tilespmem:s29], [sflag:$0x3] =	stream.indirect.gather [hbm4b:s4+s26], $0x40, s12, s26, $0xb8;
	[tilespmem:$0x1C000] =	vst v63  }
0x69: {  	s12 =	sadd.s32 $0x180, s14  }
0x6a: {  	[tilespmem:s30], [sflag:$0x4] =	stream.indirect.gather [hbm4b:s4+s26], $0x40, s12, s26, $0xb8;
	[tilespmem:$0x1C000] =	vst v63  }
0x6b: {  	_ =	swait.ge [sflag:s31], $0x2000  }
0x6c: {  	[sflag:s31] =	ssyncset.done $0x0  }
0x6d: {  	s12 =	sadd.s32 $0x5000, s14;
	[sflag:s31] =	ssyncadd.s32 $0xFFFFE000  }
0x6e: {  	[spmem:s2] =	stream.indirect.scatter.add.f32 [tilespmem:s25], [sflag:$0x5], $0x40, s12, s26, $0xb8;
	[tilespmem:$0x1C000] =	vst v63  }
0x6f: {  	_ =	swait.ge [sflag:s0], $0x2000  }
0x70: {  	[sflag:s0] =	ssyncset.done $0x0  }
0x71: {  	s12 =	sadd.s32 $0x5080, s14;
	[sflag:s0] =	ssyncadd.s32 $0xFFFFE000  }
0x72: {  	[spmem:s2] =	stream.indirect.scatter.add.f32 [tilespmem:s28], [sflag:$0x6], $0x40, s12, s26, $0xb8;
	[tilespmem:$0x1C000] =	vst v63  }
0x73: {  	_ =	swait.ge [sflag:s1], $0x2000  }
0x74: {  	[sflag:s1] =	ssyncset.done $0x0  }
0x75: {  	s12 =	sadd.s32 $0x5100, s14;
	[sflag:s1] =	ssyncadd.s32 $0xFFFFE000  }
0x76: {  	[spmem:s2] =	stream.indirect.scatter.add.f32 [tilespmem:s29], [sflag:$0x7], $0x40, s12, s26, $0xb8;
	[tilespmem:$0x1C000] =	vst v63  }
0x77: {  	_ =	swait.ge [sflag:s24], $0x2000  }
0x78: {  	[sflag:s24] =	ssyncset.done $0x0  }
0x79: {  	s12 =	sadd.s32 $0x5180, s14;
	[sflag:s24] =	ssyncadd.s32 $0xFFFFE000  }
0x7a: {  	[spmem:s2] =	stream.indirect.scatter.add.f32 [tilespmem:s30], [sflag:$0x8], $0x40, s12, s26, $0xb8;
	[tilespmem:$0x1C000] =	vst v63  }
0x7b: {  	_ =	swait.ge [sflag:s5], $0x2000  }
0x7c: {  	[sflag:s5] =	ssyncset.done $0x0  }
0x7d: {  	[sflag:s5] =	ssyncadd.s32 $0xFFFFE000  }
0x7e: {  	_ =	swait.ge [sflag:s6], $0x2000  }
0x7f: {  	[sflag:s6] =	ssyncset.done $0x0  }
0x80: {  	[sflag:s6] =	ssyncadd.s32 $0xFFFFE000  }
.Ltmp0:
0x81: {  	_ =	swait.ge [sflag:s7], $0x2000;
	(pc) =	sbr.rel @p0 .LBB2_2-.Ltmp0, $4  }
0x82: {  	[sflag:s7] =	ssyncset.done $0x0  }
0x83: {  	[sflag:s7] =	ssyncadd.s32 $0xFFFFE000  }
0x84: {  	_ =	swait.ge [sflag:s9], $0x2000  }
0x85: {  	s12 =	smov.u32 s13;
	[sflag:s9] =	ssyncset.done $0x0  }
0x86: {  	s11 =	sshra.s32 s11, $0x2;
	[sflag:s9] =	ssyncadd.s32 $0xFFFFE000  }
0x87: {  	[tilespmem:s25], [sflag:$0x1] =	stream.indirect.gather [hbm4b:s4+s26], $0x40, s11, s26, $0xb8;
	[tilespmem:$0x1C000] =	vst v63  }
0x88: {  	s12 =	sadd.s32 $0x80, s11  }
0x89: {  	[tilespmem:s28], [sflag:$0x2] =	stream.indirect.gather [hbm4b:s4+s26], $0x40, s12, s26, $0xb8;
	[tilespmem:$0x1C000] =	vst v63  }
0x8a: {  	s14 =	sadd.s32 $0x100, s11  }
0x8b: {  	[tilespmem:s29], [sflag:$0x3] =	stream.indirect.gather [hbm4b:s4+s26], $0x40, s14, s26, $0xb8;
	[tilespmem:$0x1C000] =	vst v63  }
0x8c: {  	s13 =	sadd.s32 $0x180, s11  }
0x8d: {  	[tilespmem:s30], [sflag:$0x4] =	stream.indirect.gather [hbm4b:s4+s26], $0x40, s13, s26, $0xb8;
	[tilespmem:$0x1C000] =	vst v63  }
0x8e: {  	_ =	swait.ge [sflag:s31], $0x2000  }
0x8f: {  	[sflag:s31] =	ssyncset.done $0x0  }
0x90: {  	s14 =	sadd.s32 $0x5000, s11;
	[sflag:s31] =	ssyncadd.s32 $0xFFFFE000  }
0x91: {  	[spmem:s2] =	stream.indirect.scatter.add.f32 [tilespmem:s25], [sflag:$0x5], $0x40, s14, s26, $0xb8;
	[tilespmem:$0x1C000] =	vst v63  }
0x92: {  	_ =	swait.ge [sflag:s0], $0x2000  }
0x93: {  	[sflag:s0] =	ssyncset.done $0x0  }
0x94: {  	s13 =	sadd.s32 $0x5080, s11;
	[sflag:s0] =	ssyncadd.s32 $0xFFFFE000  }
0x95: {  	[spmem:s2] =	stream.indirect.scatter.add.f32 [tilespmem:s28], [sflag:$0x6], $0x40, s13, s26, $0xb8;
	[tilespmem:$0x1C000] =	vst v63  }
0x96: {  	_ =	swait.ge [sflag:s1], $0x2000  }
0x97: {  	[sflag:s1] =	ssyncset.done $0x0  }
0x98: {  	s14 =	sadd.s32 $0x5100, s11;
	[sflag:s1] =	ssyncadd.s32 $0xFFFFE000  }
0x99: {  	[spmem:s2] =	stream.indirect.scatter.add.f32 [tilespmem:s29], [sflag:$0x7], $0x40, s14, s26, $0xb8;
	[tilespmem:$0x1C000] =	vst v63  }
0x9a: {  	_ =	swait.ge [sflag:s24], $0x2000  }
0x9b: {  	[sflag:s24] =	ssyncset.done $0x0  }
0x9c: {  	s11 =	sadd.s32 $0x5180, s11;
	[sflag:s24] =	ssyncadd.s32 $0xFFFFE000  }
0x9d: {  	[spmem:s2] =	stream.indirect.scatter.add.f32 [tilespmem:s30], [sflag:$0x8], $0x40, s11, s26, $0xb8;
	[tilespmem:$0x1C000] =	vst v63  }
0x9e: {  	_ =	swait.ge [sflag:s5], $0x2000  }
0x9f: {  	[sflag:s5] =	ssyncset.done $0x0  }
0xa0: {  	[sflag:s5] =	ssyncadd.s32 $0xFFFFE000  }
0xa1: {  	_ =	swait.ge [sflag:s6], $0x2000  }
0xa2: {  	[sflag:s6] =	ssyncset.done $0x0  }
0xa3: {  	[sflag:s6] =	ssyncadd.s32 $0xFFFFE000  }
0xa4: {  	_ =	swait.ge [sflag:s7], $0x2000  }
0xa5: {  	[sflag:s7] =	ssyncset.done $0x0  }
0xa6: {  	[sflag:s7] =	ssyncadd.s32 $0xFFFFE000  }
0xa7: {  	_ =	swait.ge [sflag:s9], $0x2000  }
0xa8: {  	[sflag:s9] =	ssyncset.done $0x0  }
0xa9: {  	[sflag:s9] =	ssyncadd.s32 $0xFFFFE000  }
0xaa: {  	[bflag:$0x0] =	sbarrier.arrive $0xFFFF  }
0xab: {  	[tilespmem:s25], [sflag:$0x9] =	stream.linear.gather [spmem:s8], $0x2000, $0x38;
	[tilespmem:$0x1C000] =	vst v63  }
0xac: {  	_ =	swait.ge [sflag:s23], $0x2000  }
0xad: {  	[sflag:s23] =	ssyncset.done $0x0  }
0xae: {  	s13 =	rddreg [dreg:$0xc];
	[sflag:s23] =	ssyncadd.s32 $0xFFFFE000  }
0xaf: {  	[hbm4b:s13+s3] =	stream.linear.scatter [tilespmem:s25], [sflag:$0x9], $0x2000, $0x38;
	[tilespmem:$0x1C000] =	vst v63  }
0xb0: {  	_ =	swait.ge [sflag:s23], $0x2000  }
0xb1: {  	[sflag:s23] =	ssyncset.done $0x0  }
0xb2: {  	[sflag:s23] =	ssyncadd.s32 $0xFFFFE000  }
0xb3: {  	[tilespmem:s25], [sflag:$0x9] =	stream.linear.gather [spmem:s15], $0x2000, $0x38;
	[tilespmem:$0x1C000] =	vst v63  }
0xb4: {  	_ =	swait.ge [sflag:s23], $0x2000  }
0xb5: {  	[sflag:s23] =	ssyncset.done $0x0  }
0xb6: {  	[sflag:s23] =	ssyncadd.s32 $0xFFFFE000  }
0xb7: {  	[hbm4b:s16+s3] =	stream.linear.scatter [tilespmem:s25], [sflag:$0x9], $0x2000, $0x38;
	[tilespmem:$0x1C000] =	vst v63  }
0xb8: {  	_ =	swait.ge [sflag:s23], $0x2000  }
0xb9: {  	[sflag:s23] =	ssyncset.done $0x0  }
0xba: {  	[sflag:s23] =	ssyncadd.s32 $0xFFFFE000  }
0xbb: {  	[tilespmem:s25], [sflag:$0x9] =	stream.linear.gather [spmem:s17], $0x2000, $0x38;
	[tilespmem:$0x1C000] =	vst v63  }
0xbc: {  	_ =	swait.ge [sflag:s23], $0x2000  }
0xbd: {  	[sflag:s23] =	ssyncset.done $0x0  }
0xbe: {  	[sflag:s23] =	ssyncadd.s32 $0xFFFFE000  }
0xbf: {  	[hbm4b:s18+s3] =	stream.linear.scatter [tilespmem:s25], [sflag:$0x9], $0x2000, $0x38;
	[tilespmem:$0x1C000] =	vst v63  }
0xc0: {  	_ =	swait.ge [sflag:s23], $0x2000  }
0xc1: {  	[sflag:s23] =	ssyncset.done $0x0  }
0xc2: {  	[sflag:s23] =	ssyncadd.s32 $0xFFFFE000  }
0xc3: {  	[tilespmem:s25], [sflag:$0x9] =	stream.linear.gather [spmem:s19], $0x2000, $0x38;
	[tilespmem:$0x1C000] =	vst v63  }
0xc4: {  	_ =	swait.ge [sflag:s23], $0x2000  }
0xc5: {  	[sflag:s23] =	ssyncset.done $0x0  }
0xc6: {  	[sflag:s23] =	ssyncadd.s32 $0xFFFFE000  }
0xc7: {  	[hbm4b:s20+s3] =	stream.linear.scatter [tilespmem:s25], [sflag:$0x9], $0x2000, $0x38;
	[tilespmem:$0x1C000] =	vst v63  }
0xc8: {  	_ =	swait.ge [sflag:s23], $0x2000  }
0xc9: {  	[sflag:s23] =	ssyncset.done $0x0  }
0xca: {  	[sflag:s23] =	ssyncadd.s32 $0xFFFFE000  }
0xcb: {  	[tilespmem:s25], [sflag:$0x9] =	stream.linear.gather [spmem:s21], $0x2000, $0x38;
	[tilespmem:$0x1C000] =	vst v63  }
0xcc: {  	_ =	swait.ge [sflag:s23], $0x2000  }
0xcd: {  	[sflag:s23] =	ssyncset.done $0x0  }
0xce: {  	[sflag:s23] =	ssyncadd.s32 $0xFFFFE000  }
0xcf: {  	[hbm4b:s22+s3] =	stream.linear.scatter [tilespmem:s25], [sflag:$0x9], $0x2000, $0x38;
	[tilespmem:$0x1C000] =	vst v63  }
0xd0: {  	_ =	swait.ge [sflag:s23], $0x2000  }
0xd1: {  	s10 =	sadd.s32 $0x1, s10;
	s14 =	rddreg [dreg:$0x7]  }
0xd2: {  	p0 =	sne.s32 s10, s14  }
.Ltmp1:
0xd3: {  	_ = 	snop;
	(pc) =	sbr.rel @p0 .LBB2_1-.Ltmp1, $3  }
0xd4: {  	_ =	sdelay $0x1  }
0xd5: {  	[sflag:s23] =	ssyncset.done $0x0  }
0xd6: {  	[sflag:s23] =	ssyncadd.s32 $0xFFFFE000  }
0xd7: {  	_ =	sfence.sel $0x180000  }
0xd8: {  	[bflag:$0x0] =	sbarrier.arrive $0xFFFF  }
0xd9: {  	_ =	strace $0x9000004A  }
0xda: {  	s0 =	stileid.u32;
	[bflag:$0x2] =	sbarrier.arrive $0xFFFF  }
0xdb: {  	p0 =	sne.s32 s0, $0x0;
	s0 =	rddreg [dreg:$0x3]  }
0xdc: {  	s0 =	sadd.s32 @!p0 $0x100000, s0  }
0xdd: {  	[sflag:s0] =	ssyncadd.tile.s32 @!p0 $0x1;
	_ =	shalt  }
.Lfunc_end2:
_tile_overlayer_lowered:
.L_overlay_start_2:
0xde: {  	(tag) =	ssettag $0x2  }
0xdf: {  	s0 =	rddreg [dreg:$0x0];
	s2 =	stileid.u32  }
0xe0: {  	s1 =	rddreg [dreg:$0x1];
	p0 =	sne.s32 s2, $0x0  }
0xe1: {  	s3 =	rddreg [dreg:$0x2];
	[bflag:$0x3] =	sbarrier.arrive $0xFFFF;
	s2 =	simm.s32 @!p0 $0x1C09  }
0xe2: {  	[timem:s3], [sflag:s2] =	dma.local @!p0 [hbm:s0], s1  }
0xe3: {  	s0 =	simm.s32 @!p0 $0x9  }
0xe4: {  	_ =	swait.ge @!p0 [sflag:s0], s1  }
0xe5: {  	s1 =	ssub.s32 @!p0 $0x0, s1;
	[sflag:s0] =	ssyncset.done @!p0 $0x0  }
0xe6: {  	[sflag:s0] =	ssyncadd.s32 @!p0 s1  }
0xe7: {  	[bflag:$0x3] =	sbarrier.arrive $0xFFFF  }
0xe8: {  	_ =	shalt  }

// kernel: kernel.14.cloned.1.call-start
scs
__scs_entry_jumppad:
0x0: {  	(pc) =	sbr.rel $0x88, $3  }
0x1: {  	(tag) =	ssettag $0x0;
	lr =	simm.s32 $0x1  }
0x2: {  	[smem:$0x3F9B] =	sst lr;
	_ =	strace $0xD0000000  }
0x3: {  	_ = 	snop  }
0x4: {  	_ = 	snop  }
0x5: {  	_ = 	snop  }
0x6: {  	_ = 	snop  }
0x7: {  	_ = 	snop  }
__scs_overlays_trampoline_lowered:
0x8: {  	[smem:$0x3FAA] =	sst s0  }
0x9: {  	[smem:$0x3FAB] =	sst s1  }
0xa: {  	[smem:$0x3FAC] =	sst s2  }
0xb: {  	[smem:$0x3FAD] =	sst s3  }
0xc: {  	[smem:$0x3FAE] =	sst s4  }
0xd: {  	[smem:$0x3FAF] =	sst s5  }
0xe: {  	[smem:$0x3FB0] =	sst s6  }
0xf: {  	[smem:$0x3FB1] =	sst s7  }
0x10: {  	[smem:$0x3FB2] =	sst s8  }
0x11: {  	[smem:$0x3FB3] =	sst s9;
	s0 =	simm.s32 @!p0 $0x0  }
0x12: {  	s1 =	sld [smem:$0x3F99];
	s0 =	simm.s32 @p0 $0x1  }
0x13: {  	[smem:$0x3FB4] =	sst s0;
	s0 =	simm.s32 @!p1 $0x0  }
0x14: {  	s2 =	sld [smem:$0x3F98];
	s0 =	simm.s32 @p1 $0x1  }
0x15: {  	[smem:$0x3FB5] =	sst s0;
	s0 =	simm.s32 @!p2 $0x0  }
0x16: {  	s3 =	sld [smem:$0x3FDB];
	s0 =	simm.s32 @p2 $0x1  }
0x17: {  	s4 =	simm.s32 $0x1BF5;
	[smem:$0x3FB7] =	sst s0  }
0x18: {  	s0 =	sld [smem:$0x3F9A];
	_ =	swait.ge [sflag:s4], $0x0  }
0x19: {  	s7 =	sld [smem:$0x3F9B]  }
0x1a: {  	s8 =	sadd.s32 $0xFFFFE003, lr  }
0x1b: {  	s9 =	sadd.s32 $0xFFFFFEF7, lr;
	s5 =	simm.s32 $0xFFFFFFFF;
	p2 =	slt.u32 s8, $0xFFFFF086  }
0x1c: {  	p1 =	slt.u32 s9, $0xF7A;
	s5 =	simm.s32 @!p2 $0x0  }
0x1d: {  	s5 =	simm.s32 @p1 $0x1;
	p0 =	seq.s32 s7, s2  }
0x1e: {  	s7 =	smul.u32 @!p0 $0xF7A, s2;
	p2 =	seq.s32 @!p0 s5, $0x0  }
0x1f: {  	s9 =	smul.u32 $0xF7A, s1;
	s8 =	simm.s32 @!p0 $0x1BF5;
	p2 =	por !p2, p0  }
0x20: {  	[sflag:s8] =	ssyncset.s32 @!p0 $0xFFFFF086;
	s6 =	sadd.s32 @!p0 s3, s7;
	s7 =	simm.s32 @!p0 $0x108  }
0x21: {  	s3 =	sadd.s32 s3, s9;
	s6 =	sadd.s32 @!p0 $0x88, s6;
	s7 =	simm.s32 @p2 $0x1082  }
0x22: {  	[simem:s7], [sflag:s8] =	dma.local @!p0 [hbm:s6], $0xF7A  }
0x23: {  	s9 =	sor.u32 $0xD0000000, s2;
	s6 =	simm.s32 $0x108;
	_ =	swait.ge @!p0 [sflag:s8], $0x0  }
0x24: {  	s3 =	sadd.s32 $0x88, s3;
	s6 =	simm.s32 @!p1 $0x1082;
	[sflag:s4] =	ssyncset.s32 $0xFFFFF086  }
0x25: {  	[simem:s6], [sflag:s4] =	dma.local [hbm:s3], $0xF7A  }
0x26: {  	[smem:$0x3F9B] =	sst s1;
	(tag) =	ssettag s2;
	_ =	strace s9  }
0x27: {  	s1 =	sld [smem:$0x3FAB]  }
0x28: {  	s2 =	sld [smem:$0x3FAC]  }
0x29: {  	s4 =	sld [smem:$0x3FAE]  }
0x2a: {  	p0 =	seq.s32 s5, $0x0;
	s5 =	sld [smem:$0x3FAF]  }
0x2b: {  	s6 =	sld [smem:$0x3FB0]  }
0x2c: {  	s7 =	sld [smem:$0x3FB1]  }
0x2d: {  	s3 =	simm.s32 $0x108;
	s8 =	sld [smem:$0x3FB2]  }
0x2e: {  	s3 =	simm.s32 @!p0 $0x1082;
	s9 =	sld [smem:$0x3FB3]  }
0x2f: {  	lr =	sadd.s32 s0, s3;
	s0 =	sld [smem:$0x3FAA]  }
0x30: {  	s3 =	sld [smem:$0x3FAD]  }
0x31: {  	[smem:$0x3FB6] =	sst s10  }
0x32: {  	s10 =	sld [smem:$0x3FB4];
	_ =	sdelay $0x3  }
0x33: {  	p0 =	seq.s32 s10, $0x1;
	s10 =	sld [smem:$0x3FB6];
	_ =	sdelay $0x3  }
0x34: {  	[smem:$0x3FB6] =	sst s10  }
0x35: {  	s10 =	sld [smem:$0x3FB5];
	_ =	sdelay $0x3  }
0x36: {  	p1 =	seq.s32 s10, $0x1;
	s10 =	sld [smem:$0x3FB6];
	_ =	sdelay $0x3  }
0x37: {  	[smem:$0x3FB6] =	sst s10  }
0x38: {  	s10 =	sld [smem:$0x3FB7]  }
0x39: {  	_ = 	snop;
	(pc) =	sbr.ind lr, $3  }
0x3a: {  	_ = 	snop  }
0x3b: {  	_ = 	snop  }
0x3c: {  	p2 =	seq.s32 s10, $0x1;
	s10 =	sld [smem:$0x3FB6]  }
0x3d: {  	_ =	shalt  }
0x3e: {  	_ =	shalt  }
0x3f: {  	_ =	shalt  }
0x40: {  	_ =	shalt  }
0x41: {  	_ =	shalt  }
0x42: {  	_ =	shalt  }
0x43: {  	_ =	shalt  }
0x44: {  	_ =	shalt  }
0x45: {  	_ =	shalt  }
0x46: {  	_ =	shalt  }
0x47: {  	_ =	shalt  }
0x48: {  	_ =	shalt  }
0x49: {  	_ =	shalt  }
0x4a: {  	_ =	shalt  }
0x4b: {  	_ =	shalt  }
0x4c: {  	_ =	shalt  }
0x4d: {  	_ =	shalt  }
0x4e: {  	_ =	shalt  }
0x4f: {  	_ =	shalt  }
0x50: {  	_ =	shalt  }
0x51: {  	_ =	shalt  }
0x52: {  	_ =	shalt  }
0x53: {  	_ =	shalt  }
0x54: {  	_ =	shalt  }
0x55: {  	_ =	shalt  }
0x56: {  	_ =	shalt  }
0x57: {  	_ =	shalt  }
0x58: {  	_ =	shalt  }
0x59: {  	_ =	shalt  }
0x5a: {  	_ =	shalt  }
0x5b: {  	_ =	shalt  }
0x5c: {  	_ =	shalt  }
0x5d: {  	_ =	shalt  }
0x5e: {  	_ =	shalt  }
0x5f: {  	_ =	shalt  }
0x60: {  	_ =	shalt  }
0x61: {  	_ =	shalt  }
0x62: {  	_ =	shalt  }
0x63: {  	_ =	shalt  }
0x64: {  	_ =	shalt  }
0x65: {  	_ =	shalt  }
0x66: {  	_ =	shalt  }
0x67: {  	_ =	shalt  }
0x68: {  	_ =	shalt  }
0x69: {  	_ =	shalt  }
0x6a: {  	_ =	shalt  }
0x6b: {  	_ =	shalt  }
0x6c: {  	_ =	shalt  }
0x6d: {  	_ =	shalt  }
0x6e: {  	_ =	shalt  }
0x6f: {  	_ =	shalt  }
0x70: {  	_ =	shalt  }
0x71: {  	_ =	shalt  }
0x72: {  	_ =	shalt  }
0x73: {  	_ =	shalt  }
0x74: {  	_ =	shalt  }
0x75: {  	_ =	shalt  }
0x76: {  	_ =	shalt  }
0x77: {  	_ =	shalt  }
0x78: {  	_ =	shalt  }
0x79: {  	_ =	shalt  }
0x7a: {  	_ =	shalt  }
0x7b: {  	_ =	shalt  }
0x7c: {  	_ =	shalt  }
0x7d: {  	_ =	shalt  }
0x7e: {  	_ =	shalt  }
0x7f: {  	_ =	shalt  }
0x80: {  	_ =	shalt  }
0x81: {  	_ =	shalt  }
0x82: {  	_ =	shalt  }
0x83: {  	_ =	shalt  }
0x84: {  	_ =	shalt  }
0x85: {  	_ =	shalt  }
0x86: {  	_ =	shalt  }
0x87: {  	_ =	shalt  }
.Lfunc_end0:
.L_simem_size_0:
called_computation.2_lowered:
.L_overlay_start_0:
0x88: {  	s2 =	sld [smem:$0x3FD9]  }
0x89: {  	s3 =	sld [smem:$0x3FFE];
	_ =	sdelay $0x1  }
0x8a: {  	s1 =	srdreg.scid  }
0x8b: {  	s0 =	sand.u32 $0x1, s1  }
0x8c: {  	s17 =	sshll.u32 s0, $0xA;
	s2 =	sadd.s32 s3, s2  }
0x8d: {  	s2 =	sadd.s32 s2, s17  }
0x8e: {  	[smem:$0x3FC2] =	sst s2  }
0x8f: {  	_ = 	snop  }
0x90: {  	s2 =	sld [smem:$0x3FD0];
	(tm) =	ssettm $0x1  }
0x91: {  	s18 =	sld [smem:$0x3FFB];
	_ =	sdelay $0x3  }
0x92: {  	_ =	strace s18  }
0x93: {  	s3 =	sld [smem:$0x3FFC];
	_ =	sdelay $0x3  }
0x94: {  	_ =	strace s3  }
0x95: {  	s3 =	sld [smem:$0x3FFD];
	_ =	sdelay $0x3  }
0x96: {  	_ =	strace s3  }
0x97: {  	_ =	strace $0x8FFFFFFF  }
0x98: {  	s19 =	sld [smem:$0x3FDB];
	_ =	sdelay $0x1  }
0x99: {  	s4 =	simm.s32 $_scs_section_size  }
0x9a: {  	s5 =	simm.s32 $_size__tile_overlayer_lowered;
	s6 =	simm.s32 $_tile_overlayer_lowered  }
0x9b: {  	s22 =	simm.s32 $0x1BFF;
	s21 =	sshll.u32 s6, $0x1;
	s3 =	sadd.s32 s4, s19  }
0x9c: {  	s7 =	simm.s32 $0x0;
	s20 =	sshll.u32 s5, $0x1;
	s5 =	sadd.s32 s21, s3  }
0x9d: {  	[timem:s7], [sflag:s22] =	dma.local [hbm:s5], s20  }
0x9e: {  	_ =	swait.ge [sflag:s22], s20  }
0x9f: {  	s4 =	ssub.s32 $0x0, s20;
	[sflag:s22] =	ssyncset.done $0x0  }
0xa0: {  	[sflag:s22] =	ssyncadd.s32 s4;
	_ =	sdelay $0x1  }
0xa1: {  	s23 =	simm.s32 $0x1B8B  }
0xa2: {  	_ =	swait.ge [sflag:s23], $0x1  }
0xa3: {  	[sflag:s23] =	ssyncset.done $0x0  }
0xa4: {  	s25 =	simm.s32 $0x1B8E;
	s24 =	sld [smem:$0x3FFE];
	[sflag:s23] =	ssyncadd.s32 $0xFFFFFFFF  }
0xa5: {  	s26 =	simm.s32 $execute0_lowered;
	[smem:$0x3FD2] =	sst s25  }
0xa6: {  	s5 =	sshll.u32 s26, $0x1;
	_ =	strace $0x8000004C;
	[dreg:$0x1] =	wrdreg $0xFFFFFFFF  }
0xa7: {  	s28 =	simm.s32 $_size_execute0_lowered;
	s3 =	sadd.s32 s3, s5;
	[dreg:$0x0] =	wrdreg $0x0  }
0xa8: {  	s5 =	sshll.u32 s28, $0x1;
	[dreg:$0x2] =	wrdreg s3  }
0xa9: {  	[dreg:$0x3] =	wrdreg s5  }
0xaa: {  	[dreg:$0x4] =	wrdreg $0xC0  }
0xab: {  	_ =	task [dreg:s7], $0x5FFFF  }
0xac: {  	[dreg:$0x1] =	wrdreg $0xFFFFFFFF  }
0xad: {  	[dreg:$0x0] =	wrdreg $0x60  }
0xae: {  	[dreg:$0x2] =	wrdreg s24  }
0xaf: {  	[dreg:$0x3] =	wrdreg s2  }
0xb0: {  	[dreg:$0x4] =	wrdreg $0x120000  }
0xb1: {  	[dreg:$0x5] =	wrdreg $0x9  }
0xb2: {  	_ =	task.clear_ibuf [dreg:s7], $0x6FFFF;
	_ =	strace $0x9000004C  }
0xb3: {  	s29 =	simm.s32 $0x9;
	_ =	strace $0x8000004E  }
0xb4: {  	_ =	swait.ge [sflag:s29], $0x1  }
0xb5: {  	[sflag:s29] =	ssyncadd.s32 $0xFFFFFFFF  }
0xb6: {  	_ =	strace $0x9000004E  }
0xb7: {  	_ =	sfence  }
0xb8: {  	s30 =	sld [smem:$0x0];
	_ =	sdelay $0x2  }
0xb9: {  	s31 =	sshll.u32 s1, $0xD;
	s1 =	sshrl.u32 s1, $0x2  }
0xba: {  	s3 =	sand.u32 $0x4000, s31;
	s1 =	sadd.s32 s1, s30  }
0xbb: {  	s0 =	sor.u32 s3, s0;
	s1 =	sshll.u32 s1, $0x11  }
0xbc: {  	s0 =	sor.u32 s1, s0  }
0xbd: {  	s0 =	sadd.s32 $0x8F2B, s0  }
0xbe: {  	[sflag:s0] =	ssyncadd.remote.s32 $0x1  }
0xbf: {  	_ =	sfence.sel $0xFFFF  }
0xc0: {  	[dreg:$0x0] =	wrdreg $0xFFFFFFFF;
	(pc) =	sbr.abs _section_cstart, $3  }
0xc1: {  	[dreg:$0x1] =	wrdreg $0xFFFFFFFF  }
0xc2: {  	_ =	task.clear_ibuf [dreg:s7], $0x2FFFF;
	_ =	strace $0x9FFFFFFF  }
0xc3: {  	(tm) =	ssettm $0x7FFFFFFF  }
tec
execute0_lowered:
.L_overlay_start_1:
0x0: {  	(tag) =	ssettag $0x1  }
0x1: {  	s0 =	rddreg [dreg:$0x0]  }
0x2: {  	s1 =	rddreg [dreg:$0x1]  }
0x3: {  	s2 =	rddreg [dreg:$0x2];
	s4 =	srdreg.scid;
	s3 =	simm.s32 $0x0  }
0x4: {  	s11 =	stileid.u32;
	s28 =	simm.s32 $0xC000;
	s29 =	simm.s32 $0xE000  }
0x5: {  	s30 =	simm.s32 $0x10000;
	s31 =	simm.s32 $0x1;
	s5 =	sand.u32 $0x1, s4  }
0x6: {  	[smem:$0x7FF] =	sst s3;
	s6 =	smul.u32 $0xA00, s11;
	s8 =	sadd.s32 $0xB800, s0  }
0x7: {  	s9 =	smul.u32 $0x28000, s11;
	s4 =	sshll.u32 s5, $0x4;
	_ =	strace $0x8000004D  }
0x8: {  	[dreg:$0x4] =	wrdreg s8;
	s25 =	ssub.s32 $0x2, s5;
	s5 =	smul.u32 $0x2800, s5  }
0x9: {  	s7 =	sor.u32 s11, s4;
	s4 =	sadd.s32 $0xB6000, s0;
	s6 =	sadd.s32 s6, s0  }
0xa: {  	s0 =	sadd.s32 $0xDE000, s0;
	s10 =	sshrl.u32 s25, $0x1;
	s11 =	smul.u32 $0x280, s11  }
0xb: {  	s26 =	sshrl.u32 s9, $0x2;
	s7 =	smul.u32 $0xA00, s7;
	s9 =	sadd.s32 $0x1800, s6  }
0xc: {  	s10 =	ssub.s32 s25, s10;
	s8 =	sadd.s32 s26, s2;
	[dreg:$0x6] =	wrdreg s9  }
0xd: {  	s12 =	smax.u32 s10, $0x1;
	s13 =	sadd.s32 $0x2000, s8;
	s14 =	sadd.s32 s5, s11  }
0xe: {  	s15 =	sadd.s32 $0x4000, s8;
	s16 =	sadd.s32 $0x6000, s8;
	[dreg:$0x7] =	wrdreg s12  }
0xf: {  	s17 =	sadd.s32 $0x8000, s8;
	s18 =	sadd.s32 $0x80, s11;
	[dreg:$0x8] =	wrdreg s13  }
0x10: {  	s20 =	sadd.s32 $0x100, s11;
	s23 =	sadd.s32 $0x180, s11;
	[dreg:$0x9] =	wrdreg s15  }
0x11: {  	s25 =	sadd.s32 $0x200, s11;
	s9 =	simm.s32 $0x8;
	[dreg:$0xa] =	wrdreg s16  }
0x12: {  	s10 =	simm.s32 $0x0;
	s1 =	sadd.s32 s1, s7;
	[dreg:$0xb] =	wrdreg s17  }
0x13: {  	s19 =	sshll.u32 s18, $0x6;
	s21 =	sadd.s32 s5, s20;
	s22 =	sshll.u32 s20, $0x6  }
0x14: {  	s24 =	sshll.u32 s23, $0x6;
	s26 =	sshll.u32 s25, $0x6;
	s7 =	simm.s32 $0x7  }
0x15: {  	[dreg:$0x5] =	wrdreg s1;
	s1 =	sshll.u32 s14, $0x3;
	s15 =	sadd.s32 s19, s2  }
0x16: {  	s6 =	sshll.u32 s21, $0x3;
	s17 =	sadd.s32 s22, s2;
	s19 =	sadd.s32 s24, s2  }
0x17: {  	s21 =	sadd.s32 s26, s2;
	s26 =	simm.s32 $0x80;
	s1 =	sadd.s32 s0, s1  }
0x18: {  	s24 =	simm.s32 $0x4;
	[dreg:$0xc] =	wrdreg s1;
	s1 =	sadd.s32 s5, s18  }
0x19: {  	s18 =	sadd.s32 s0, s6;
	s6 =	simm.s32 $0x6;
	s1 =	sshll.u32 s1, $0x3  }
0x1a: {  	s16 =	sadd.s32 s0, s1;
	s1 =	sadd.s32 s5, s23;
	s5 =	sadd.s32 s5, s25  }
0x1b: {  	s23 =	simm.s32 $0x9;
	s1 =	sshll.u32 s1, $0x3;
	s5 =	sshll.u32 s5, $0x3  }
0x1c: {  	s25 =	simm.s32 $0xA000;
	s20 =	sadd.s32 s0, s1;
	s22 =	sadd.s32 s0, s5  }
0x1d: {  	s0 =	simm.s32 $0x2;
	s1 =	simm.s32 $0x3;
	s5 =	simm.s32 $0x5  }
.LBB2_1:
0x1e: {  	s11 =	rddreg [dreg:$0x5]  }
0x1f: {  	[tilespmem:s3], [sflag:$0x9] =	stream.linear.gather [hbm4b:s11+s3], $0x5000, $0x38;
	[tilespmem:$0x1C000] =	vst v63  }
0x20: {  	_ =	swait.ge [sflag:s23], $0x5000  }
0x21: {  	[sflag:s23] =	ssyncset.done $0x0  }
0x22: {  	s12 =	simm.s32 $0x5000;
	s13 =	rddreg [dreg:$0x6];
	[sflag:s23] =	ssyncadd.s32 $0xFFFFB000  }
0x23: {  	[tilespmem:s12], [sflag:$0x9] =	stream.linear.gather [hbm4b:s13+s3], $0x5000, $0x38;
	[tilespmem:$0x1C000] =	vst v63  }
0x24: {  	_ =	swait.ge [sflag:s23], $0x5000  }
0x25: {  	[sflag:s23] =	ssyncset.done $0x0  }
0x26: {  	s14 =	rddreg [dreg:$0x4];
	[sflag:s23] =	ssyncadd.s32 $0xFFFFB000  }
0x27: {  	[tilespmem:s25], [sflag:$0x9] =	stream.linear.gather [hbm4b:s14+s3], $0x2000, $0x38;
	[tilespmem:$0x1C000] =	vst v63  }
0x28: {  	_ =	swait.ge [sflag:s23], $0x2000  }
0x29: {  	[sflag:s23] =	ssyncset.done $0x0  }
0x2a: {  	[sflag:s23] =	ssyncadd.s32 $0xFFFFE000  }
0x2b: {  	[spmem:s8] =	stream.linear.scatter [tilespmem:s25], [sflag:$0x9], $0x2000, $0x38;
	[tilespmem:$0x1C000] =	vst v63  }
0x2c: {  	_ =	swait.ge [sflag:s23], $0x2000  }
0x2d: {  	[sflag:s23] =	ssyncset.done $0x0  }
0x2e: {  	s12 =	rddreg [dreg:$0x8];
	[sflag:s23] =	ssyncadd.s32 $0xFFFFE000  }
0x2f: {  	[spmem:s12] =	stream.linear.scatter [tilespmem:s25], [sflag:$0x9], $0x2000, $0x38;
	[tilespmem:$0x1C000] =	vst v63  }
0x30: {  	_ =	swait.ge [sflag:s23], $0x2000  }
0x31: {  	[sflag:s23] =	ssyncset.done $0x0  }
0x32: {  	s13 =	rddreg [dreg:$0x9];
	[sflag:s23] =	ssyncadd.s32 $0xFFFFE000  }
0x33: {  	[spmem:s13] =	stream.linear.scatter [tilespmem:s25], [sflag:$0x9], $0x2000, $0x38;
	[tilespmem:$0x1C000] =	vst v63  }
0x34: {  	_ =	swait.ge [sflag:s23], $0x2000  }
0x35: {  	[sflag:s23] =	ssyncset.done $0x0  }
0x36: {  	s14 =	rddreg [dreg:$0xa];
	[sflag:s23] =	ssyncadd.s32 $0xFFFFE000  }
0x37: {  	[spmem:s14] =	stream.linear.scatter [tilespmem:s25], [sflag:$0x9], $0x2000, $0x38;
	[tilespmem:$0x1C000] =	vst v63  }
0x38: {  	_ =	swait.ge [sflag:s23], $0x2000  }
0x39: {  	[sflag:s23] =	ssyncset.done $0x0  }
0x3a: {  	s12 =	rddreg [dreg:$0xb];
	[sflag:s23] =	ssyncadd.s32 $0xFFFFE000  }
0x3b: {  	[spmem:s12] =	stream.linear.scatter [tilespmem:s25], [sflag:$0x9], $0x2000, $0x38;
	[tilespmem:$0x1C000] =	vst v63  }
0x3c: {  	_ =	swait.ge [sflag:s23], $0x2000  }
0x3d: {  	[sflag:s23] =	ssyncset.done $0x0  }
0x3e: {  	[sflag:s23] =	ssyncadd.s32 $0xFFFFE000  }
0x3f: {  	s13 =	simm.s32 $0x0;
	[bflag:$0x0] =	sbarrier.arrive $0xFFFF  }
0x40: {  	[tilespmem:s25], [sflag:$0x1] =	stream.indirect.gather [hbm4b:s4+s26], $0x40, s13, s26, $0xb8;
	[tilespmem:$0x1C000] =	vst v63  }
0x41: {  	s14 =	simm.s32 $0x80  }
0x42: {  	[tilespmem:s28], [sflag:$0x2] =	stream.indirect.gather [hbm4b:s4+s26], $0x40, s14, s26, $0xb8;
	[tilespmem:$0x1C000] =	vst v63  }
0x43: {  	s12 =	simm.s32 $0x100  }
0x44: {  	[tilespmem:s29], [sflag:$0x3] =	stream.indirect.gather [hbm4b:s4+s26], $0x40, s12, s26, $0xb8;
	[tilespmem:$0x1C000] =	vst v63  }
0x45: {  	s13 =	simm.s32 $0x180  }
0x46: {  	[tilespmem:s30], [sflag:$0x4] =	stream.indirect.gather [hbm4b:s4+s26], $0x40, s13, s26, $0xb8;
	[tilespmem:$0x1C000] =	vst v63  }
0x47: {  	_ =	swait.ge [sflag:s31], $0x2000  }
0x48: {  	[sflag:s31] =	ssyncset.done $0x0  }
0x49: {  	s14 =	simm.s32 $0x5000;
	[sflag:s31] =	ssyncadd.s32 $0xFFFFE000  }
0x4a: {  	[spmem:s2] =	stream.indirect.scatter.add.f32 [tilespmem:s25], [sflag:$0x5], $0x40, s14, s26, $0xb8;
	[tilespmem:$0x1C000] =	vst v63  }
0x4b: {  	_ =	swait.ge [sflag:s0], $0x2000  }
0x4c: {  	[sflag:s0] =	ssyncset.done $0x0  }
0x4d: {  	s12 =	simm.s32 $0x5080;
	[sflag:s0] =	ssyncadd.s32 $0xFFFFE000  }
0x4e: {  	[spmem:s2] =	stream.indirect.scatter.add.f32 [tilespmem:s28], [sflag:$0x6], $0x40, s12, s26, $0xb8;
	[tilespmem:$0x1C000] =	vst v63  }
0x4f: {  	_ =	swait.ge [sflag:s1], $0x2000  }
0x50: {  	[sflag:s1] =	ssyncset.done $0x0  }
0x51: {  	s13 =	simm.s32 $0x5100;
	[sflag:s1] =	ssyncadd.s32 $0xFFFFE000  }
0x52: {  	[spmem:s2] =	stream.indirect.scatter.add.f32 [tilespmem:s29], [sflag:$0x7], $0x40, s13, s26, $0xb8;
	[tilespmem:$0x1C000] =	vst v63  }
0x53: {  	_ =	swait.ge [sflag:s24], $0x2000  }
0x54: {  	[sflag:s24] =	ssyncset.done $0x0  }
0x55: {  	s14 =	simm.s32 $0x5180;
	[sflag:s24] =	ssyncadd.s32 $0xFFFFE000  }
0x56: {  	[spmem:s2] =	stream.indirect.scatter.add.f32 [tilespmem:s30], [sflag:$0x8], $0x40, s14, s26, $0xb8;
	[tilespmem:$0x1C000] =	vst v63  }
0x57: {  	_ =	swait.ge [sflag:s5], $0x2000  }
0x58: {  	[sflag:s5] =	ssyncset.done $0x0  }
0x59: {  	[sflag:s5] =	ssyncadd.s32 $0xFFFFE000  }
0x5a: {  	_ =	swait.ge [sflag:s6], $0x2000  }
0x5b: {  	[sflag:s6] =	ssyncset.done $0x0  }
0x5c: {  	[sflag:s6] =	ssyncadd.s32 $0xFFFFE000  }
0x5d: {  	_ =	swait.ge [sflag:s7], $0x2000  }
0x5e: {  	[sflag:s7] =	ssyncset.done $0x0  }
0x5f: {  	[sflag:s7] =	ssyncadd.s32 $0xFFFFE000  }
0x60: {  	_ =	swait.ge [sflag:s9], $0x2000  }
0x61: {  	s11 =	simm.s32 $0x800;
	s12 =	simm.s32 $0x1000;
	[sflag:s9] =	ssyncset.done $0x0  }
.LBB2_2:
0x62: {  	s14 =	sshra.s32 s11, $0x2  }
0x63: {  	[sflag:s9] =	ssyncadd.s32 $0xFFFFE000;
	s11 =	smov.u32 s12;
	s13 =	sadd.s32 $0x800, s12  }
0x64: {  	[tilespmem:s25], [sflag:$0x1] =	stream.indirect.gather [hbm4b:s4+s26], $0x40, s14, s26, $0xb8;
	[tilespmem:$0x1C000] =	vst v63  }
0x65: {  	p0 =	sne.s32 s12, $0x13800;
	s12 =	sadd.s32 $0x80, s14  }
0x66: {  	[tilespmem:s28], [sflag:$0x2] =	stream.indirect.gather [hbm4b:s4+s26], $0x40, s12, s26, $0xb8;
	[tilespmem:$0x1C000] =	vst v63  }
0x67: {  	s12 =	sadd.s32 $0x100, s14  }
0x68: {  	[tilespmem:s29], [sflag:$0x3] =	stream.indirect.gather [hbm4b:s4+s26], $0x40, s12, s26, $0xb8;
	[tilespmem:$0x1C000] =	vst v63  }
0x69: {  	s12 =	sadd.s32 $0x180, s14  }
0x6a: {  	[tilespmem:s30], [sflag:$0x4] =	stream.indirect.gather [hbm4b:s4+s26], $0x40, s12, s26, $0xb8;
	[tilespmem:$0x1C000] =	vst v63  }
0x6b: {  	_ =	swait.ge [sflag:s31], $0x2000  }
0x6c: {  	[sflag:s31] =	ssyncset.done $0x0  }
0x6d: {  	s12 =	sadd.s32 $0x5000, s14;
	[sflag:s31] =	ssyncadd.s32 $0xFFFFE000  }
0x6e: {  	[spmem:s2] =	stream.indirect.scatter.add.f32 [tilespmem:s25], [sflag:$0x5], $0x40, s12, s26, $0xb8;
	[tilespmem:$0x1C000] =	vst v63  }
0x6f: {  	_ =	swait.ge [sflag:s0], $0x2000  }
0x70: {  	[sflag:s0] =	ssyncset.done $0x0  }
0x71: {  	s12 =	sadd.s32 $0x5080, s14;
	[sflag:s0] =	ssyncadd.s32 $0xFFFFE000  }
0x72: {  	[spmem:s2] =	stream.indirect.scatter.add.f32 [tilespmem:s28], [sflag:$0x6], $0x40, s12, s26, $0xb8;
	[tilespmem:$0x1C000] =	vst v63  }
0x73: {  	_ =	swait.ge [sflag:s1], $0x2000  }
0x74: {  	[sflag:s1] =	ssyncset.done $0x0  }
0x75: {  	s12 =	sadd.s32 $0x5100, s14;
	[sflag:s1] =	ssyncadd.s32 $0xFFFFE000  }
0x76: {  	[spmem:s2] =	stream.indirect.scatter.add.f32 [tilespmem:s29], [sflag:$0x7], $0x40, s12, s26, $0xb8;
	[tilespmem:$0x1C000] =	vst v63  }
0x77: {  	_ =	swait.ge [sflag:s24], $0x2000  }
0x78: {  	[sflag:s24] =	ssyncset.done $0x0  }
0x79: {  	s12 =	sadd.s32 $0x5180, s14;
	[sflag:s24] =	ssyncadd.s32 $0xFFFFE000  }
0x7a: {  	[spmem:s2] =	stream.indirect.scatter.add.f32 [tilespmem:s30], [sflag:$0x8], $0x40, s12, s26, $0xb8;
	[tilespmem:$0x1C000] =	vst v63  }
0x7b: {  	_ =	swait.ge [sflag:s5], $0x2000  }
0x7c: {  	[sflag:s5] =	ssyncset.done $0x0  }
0x7d: {  	[sflag:s5] =	ssyncadd.s32 $0xFFFFE000  }
0x7e: {  	_ =	swait.ge [sflag:s6], $0x2000  }
0x7f: {  	[sflag:s6] =	ssyncset.done $0x0  }
0x80: {  	[sflag:s6] =	ssyncadd.s32 $0xFFFFE000  }
.Ltmp0:
0x81: {  	_ =	swait.ge [sflag:s7], $0x2000;
	(pc) =	sbr.rel @p0 .LBB2_2-.Ltmp0, $4  }
0x82: {  	[sflag:s7] =	ssyncset.done $0x0  }
0x83: {  	[sflag:s7] =	ssyncadd.s32 $0xFFFFE000  }
0x84: {  	_ =	swait.ge [sflag:s9], $0x2000  }
0x85: {  	s12 =	smov.u32 s13;
	[sflag:s9] =	ssyncset.done $0x0  }
0x86: {  	s11 =	sshra.s32 s11, $0x2;
	[sflag:s9] =	ssyncadd.s32 $0xFFFFE000  }
0x87: {  	[tilespmem:s25], [sflag:$0x1] =	stream.indirect.gather [hbm4b:s4+s26], $0x40, s11, s26, $0xb8;
	[tilespmem:$0x1C000] =	vst v63  }
0x88: {  	s12 =	sadd.s32 $0x80, s11  }
0x89: {  	[tilespmem:s28], [sflag:$0x2] =	stream.indirect.gather [hbm4b:s4+s26], $0x40, s12, s26, $0xb8;
	[tilespmem:$0x1C000] =	vst v63  }
0x8a: {  	s14 =	sadd.s32 $0x100, s11  }
0x8b: {  	[tilespmem:s29], [sflag:$0x3] =	stream.indirect.gather [hbm4b:s4+s26], $0x40, s14, s26, $0xb8;
	[tilespmem:$0x1C000] =	vst v63  }
0x8c: {  	s13 =	sadd.s32 $0x180, s11  }
0x8d: {  	[tilespmem:s30], [sflag:$0x4] =	stream.indirect.gather [hbm4b:s4+s26], $0x40, s13, s26, $0xb8;
	[tilespmem:$0x1C000] =	vst v63  }
0x8e: {  	_ =	swait.ge [sflag:s31], $0x2000  }
0x8f: {  	[sflag:s31] =	ssyncset.done $0x0  }
0x90: {  	s14 =	sadd.s32 $0x5000, s11;
	[sflag:s31] =	ssyncadd.s32 $0xFFFFE000  }
0x91: {  	[spmem:s2] =	stream.indirect.scatter.add.f32 [tilespmem:s25], [sflag:$0x5], $0x40, s14, s26, $0xb8;
	[tilespmem:$0x1C000] =	vst v63  }
0x92: {  	_ =	swait.ge [sflag:s0], $0x2000  }
0x93: {  	[sflag:s0] =	ssyncset.done $0x0  }
0x94: {  	s13 =	sadd.s32 $0x5080, s11;
	[sflag:s0] =	ssyncadd.s32 $0xFFFFE000  }
0x95: {  	[spmem:s2] =	stream.indirect.scatter.add.f32 [tilespmem:s28], [sflag:$0x6], $0x40, s13, s26, $0xb8;
	[tilespmem:$0x1C000] =	vst v63  }
0x96: {  	_ =	swait.ge [sflag:s1], $0x2000  }
0x97: {  	[sflag:s1] =	ssyncset.done $0x0  }
0x98: {  	s14 =	sadd.s32 $0x5100, s11;
	[sflag:s1] =	ssyncadd.s32 $0xFFFFE000  }
0x99: {  	[spmem:s2] =	stream.indirect.scatter.add.f32 [tilespmem:s29], [sflag:$0x7], $0x40, s14, s26, $0xb8;
	[tilespmem:$0x1C000] =	vst v63  }
0x9a: {  	_ =	swait.ge [sflag:s24], $0x2000  }
0x9b: {  	[sflag:s24] =	ssyncset.done $0x0  }
0x9c: {  	s11 =	sadd.s32 $0x5180, s11;
	[sflag:s24] =	ssyncadd.s32 $0xFFFFE000  }
0x9d: {  	[spmem:s2] =	stream.indirect.scatter.add.f32 [tilespmem:s30], [sflag:$0x8], $0x40, s11, s26, $0xb8;
	[tilespmem:$0x1C000] =	vst v63  }
0x9e: {  	_ =	swait.ge [sflag:s5], $0x2000  }
0x9f: {  	[sflag:s5] =	ssyncset.done $0x0  }
0xa0: {  	[sflag:s5] =	ssyncadd.s32 $0xFFFFE000  }
0xa1: {  	_ =	swait.ge [sflag:s6], $0x2000  }
0xa2: {  	[sflag:s6] =	ssyncset.done $0x0  }
0xa3: {  	[sflag:s6] =	ssyncadd.s32 $0xFFFFE000  }
0xa4: {  	_ =	swait.ge [sflag:s7], $0x2000  }
0xa5: {  	[sflag:s7] =	ssyncset.done $0x0  }
0xa6: {  	[sflag:s7] =	ssyncadd.s32 $0xFFFFE000  }
0xa7: {  	_ =	swait.ge [sflag:s9], $0x2000  }
0xa8: {  	[sflag:s9] =	ssyncset.done $0x0  }
0xa9: {  	[sflag:s9] =	ssyncadd.s32 $0xFFFFE000  }
0xaa: {  	[bflag:$0x0] =	sbarrier.arrive $0xFFFF  }
0xab: {  	[tilespmem:s25], [sflag:$0x9] =	stream.linear.gather [spmem:s8], $0x2000, $0x38;
	[tilespmem:$0x1C000] =	vst v63  }
0xac: {  	_ =	swait.ge [sflag:s23], $0x2000  }
0xad: {  	[sflag:s23] =	ssyncset.done $0x0  }
0xae: {  	s13 =	rddreg [dreg:$0xc];
	[sflag:s23] =	ssyncadd.s32 $0xFFFFE000  }
0xaf: {  	[hbm4b:s13+s3] =	stream.linear.scatter [tilespmem:s25], [sflag:$0x9], $0x2000, $0x38;
	[tilespmem:$0x1C000] =	vst v63  }
0xb0: {  	_ =	swait.ge [sflag:s23], $0x2000  }
0xb1: {  	[sflag:s23] =	ssyncset.done $0x0  }
0xb2: {  	[sflag:s23] =	ssyncadd.s32 $0xFFFFE000  }
0xb3: {  	[tilespmem:s25], [sflag:$0x9] =	stream.linear.gather [spmem:s15], $0x2000, $0x38;
	[tilespmem:$0x1C000] =	vst v63  }
0xb4: {  	_ =	swait.ge [sflag:s23], $0x2000  }
0xb5: {  	[sflag:s23] =	ssyncset.done $0x0  }
0xb6: {  	[sflag:s23] =	ssyncadd.s32 $0xFFFFE000  }
0xb7: {  	[hbm4b:s16+s3] =	stream.linear.scatter [tilespmem:s25], [sflag:$0x9], $0x2000, $0x38;
	[tilespmem:$0x1C000] =	vst v63  }
0xb8: {  	_ =	swait.ge [sflag:s23], $0x2000  }
0xb9: {  	[sflag:s23] =	ssyncset.done $0x0  }
0xba: {  	[sflag:s23] =	ssyncadd.s32 $0xFFFFE000  }
0xbb: {  	[tilespmem:s25], [sflag:$0x9] =	stream.linear.gather [spmem:s17], $0x2000, $0x38;
	[tilespmem:$0x1C000] =	vst v63  }
0xbc: {  	_ =	swait.ge [sflag:s23], $0x2000  }
0xbd: {  	[sflag:s23] =	ssyncset.done $0x0  }
0xbe: {  	[sflag:s23] =	ssyncadd.s32 $0xFFFFE000  }
0xbf: {  	[hbm4b:s18+s3] =	stream.linear.scatter [tilespmem:s25], [sflag:$0x9], $0x2000, $0x38;
	[tilespmem:$0x1C000] =	vst v63  }
0xc0: {  	_ =	swait.ge [sflag:s23], $0x2000  }
0xc1: {  	[sflag:s23] =	ssyncset.done $0x0  }
0xc2: {  	[sflag:s23] =	ssyncadd.s32 $0xFFFFE000  }
0xc3: {  	[tilespmem:s25], [sflag:$0x9] =	stream.linear.gather [spmem:s19], $0x2000, $0x38;
	[tilespmem:$0x1C000] =	vst v63  }
0xc4: {  	_ =	swait.ge [sflag:s23], $0x2000  }
0xc5: {  	[sflag:s23] =	ssyncset.done $0x0  }
0xc6: {  	[sflag:s23] =	ssyncadd.s32 $0xFFFFE000  }
0xc7: {  	[hbm4b:s20+s3] =	stream.linear.scatter [tilespmem:s25], [sflag:$0x9], $0x2000, $0x38;
	[tilespmem:$0x1C000] =	vst v63  }
0xc8: {  	_ =	swait.ge [sflag:s23], $0x2000  }
0xc9: {  	[sflag:s23] =	ssyncset.done $0x0  }
0xca: {  	[sflag:s23] =	ssyncadd.s32 $0xFFFFE000  }
0xcb: {  	[tilespmem:s25], [sflag:$0x9] =	stream.linear.gather [spmem:s21], $0x2000, $0x38;
	[tilespmem:$0x1C000] =	vst v63  }
0xcc: {  	_ =	swait.ge [sflag:s23], $0x2000  }
0xcd: {  	[sflag:s23] =	ssyncset.done $0x0  }
0xce: {  	[sflag:s23] =	ssyncadd.s32 $0xFFFFE000  }
0xcf: {  	[hbm4b:s22+s3] =	stream.linear.scatter [tilespmem:s25], [sflag:$0x9], $0x2000, $0x38;
	[tilespmem:$0x1C000] =	vst v63  }
0xd0: {  	_ =	swait.ge [sflag:s23], $0x2000  }
0xd1: {  	s10 =	sadd.s32 $0x1, s10;
	s14 =	rddreg [dreg:$0x7]  }
0xd2: {  	p0 =	sne.s32 s10, s14  }
.Ltmp1:
0xd3: {  	_ = 	snop;
	(pc) =	sbr.rel @p0 .LBB2_1-.Ltmp1, $3  }
0xd4: {  	_ =	sdelay $0x1  }
0xd5: {  	[sflag:s23] =	ssyncset.done $0x0  }
0xd6: {  	[sflag:s23] =	ssyncadd.s32 $0xFFFFE000  }
0xd7: {  	_ =	sfence.sel $0x180000  }
0xd8: {  	[bflag:$0x0] =	sbarrier.arrive $0xFFFF  }
0xd9: {  	_ =	strace $0x9000004D  }
0xda: {  	s0 =	stileid.u32;
	[bflag:$0x2] =	sbarrier.arrive $0xFFFF  }
0xdb: {  	p0 =	sne.s32 s0, $0x0;
	s0 =	rddreg [dreg:$0x3]  }
0xdc: {  	s0 =	sadd.s32 @!p0 $0x100000, s0  }
0xdd: {  	[sflag:s0] =	ssyncadd.tile.s32 @!p0 $0x1;
	_ =	shalt  }
.Lfunc_end2:
_tile_overlayer_lowered:
.L_overlay_start_2:
0xde: {  	(tag) =	ssettag $0x2  }
0xdf: {  	s0 =	rddreg [dreg:$0x0];
	s2 =	stileid.u32  }
0xe0: {  	s1 =	rddreg [dreg:$0x1];
	p0 =	sne.s32 s2, $0x0  }
0xe1: {  	s3 =	rddreg [dreg:$0x2];
	[bflag:$0x3] =	sbarrier.arrive $0xFFFF;
	s2 =	simm.s32 @!p0 $0x1C09  }
0xe2: {  	[timem:s3], [sflag:s2] =	dma.local @!p0 [hbm:s0], s1  }
0xe3: {  	s0 =	simm.s32 @!p0 $0x9  }
0xe4: {  	_ =	swait.ge @!p0 [sflag:s0], s1  }
0xe5: {  	s1 =	ssub.s32 @!p0 $0x0, s1;
	[sflag:s0] =	ssyncset.done @!p0 $0x0  }
0xe6: {  	[sflag:s0] =	ssyncadd.s32 @!p0 s1  }
0xe7: {  	[bflag:$0x3] =	sbarrier.arrive $0xFFFF  }
0xe8: {  	_ =	shalt  }

// kernel: kernel.8.cloned.1.call-start
scs
__scs_entry_jumppad:
0x0: {  	(pc) =	sbr.rel $0x88, $3  }
0x1: {  	(tag) =	ssettag $0x0;
	lr =	simm.s32 $0x1  }
0x2: {  	[smem:$0x3F9B] =	sst lr;
	_ =	strace $0xD0000000  }
0x3: {  	_ = 	snop  }
0x4: {  	_ = 	snop  }
0x5: {  	_ = 	snop  }
0x6: {  	_ = 	snop  }
0x7: {  	_ = 	snop  }
__scs_overlays_trampoline_lowered:
0x8: {  	[smem:$0x3FAA] =	sst s0  }
0x9: {  	[smem:$0x3FAB] =	sst s1  }
0xa: {  	[smem:$0x3FAC] =	sst s2  }
0xb: {  	[smem:$0x3FAD] =	sst s3  }
0xc: {  	[smem:$0x3FAE] =	sst s4  }
0xd: {  	[smem:$0x3FAF] =	sst s5  }
0xe: {  	[smem:$0x3FB0] =	sst s6  }
0xf: {  	[smem:$0x3FB1] =	sst s7  }
0x10: {  	[smem:$0x3FB2] =	sst s8  }
0x11: {  	[smem:$0x3FB3] =	sst s9;
	s0 =	simm.s32 @!p0 $0x0  }
0x12: {  	s1 =	sld [smem:$0x3F99];
	s0 =	simm.s32 @p0 $0x1  }
0x13: {  	[smem:$0x3FB4] =	sst s0;
	s0 =	simm.s32 @!p1 $0x0  }
0x14: {  	s2 =	sld [smem:$0x3F98];
	s0 =	simm.s32 @p1 $0x1  }
0x15: {  	[smem:$0x3FB5] =	sst s0;
	s0 =	simm.s32 @!p2 $0x0  }
0x16: {  	s3 =	sld [smem:$0x3FDB];
	s0 =	simm.s32 @p2 $0x1  }
0x17: {  	s4 =	simm.s32 $0x1BF5;
	[smem:$0x3FB7] =	sst s0  }
0x18: {  	s0 =	sld [smem:$0x3F9A];
	_ =	swait.ge [sflag:s4], $0x0  }
0x19: {  	s7 =	sld [smem:$0x3F9B]  }
0x1a: {  	s8 =	sadd.s32 $0xFFFFE003, lr  }
0x1b: {  	s9 =	sadd.s32 $0xFFFFFEF7, lr;
	s5 =	simm.s32 $0xFFFFFFFF;
	p2 =	slt.u32 s8, $0xFFFFF086  }
0x1c: {  	p1 =	slt.u32 s9, $0xF7A;
	s5 =	simm.s32 @!p2 $0x0  }
0x1d: {  	s5 =	simm.s32 @p1 $0x1;
	p0 =	seq.s32 s7, s2  }
0x1e: {  	s7 =	smul.u32 @!p0 $0xF7A, s2;
	p2 =	seq.s32 @!p0 s5, $0x0  }
0x1f: {  	s9 =	smul.u32 $0xF7A, s1;
	s8 =	simm.s32 @!p0 $0x1BF5;
	p2 =	por !p2, p0  }
0x20: {  	[sflag:s8] =	ssyncset.s32 @!p0 $0xFFFFF086;
	s6 =	sadd.s32 @!p0 s3, s7;
	s7 =	simm.s32 @!p0 $0x108  }
0x21: {  	s3 =	sadd.s32 s3, s9;
	s6 =	sadd.s32 @!p0 $0x88, s6;
	s7 =	simm.s32 @p2 $0x1082  }
0x22: {  	[simem:s7], [sflag:s8] =	dma.local @!p0 [hbm:s6], $0xF7A  }
0x23: {  	s9 =	sor.u32 $0xD0000000, s2;
	s6 =	simm.s32 $0x108;
	_ =	swait.ge @!p0 [sflag:s8], $0x0  }
0x24: {  	s3 =	sadd.s32 $0x88, s3;
	s6 =	simm.s32 @!p1 $0x1082;
	[sflag:s4] =	ssyncset.s32 $0xFFFFF086  }
0x25: {  	[simem:s6], [sflag:s4] =	dma.local [hbm:s3], $0xF7A  }
0x26: {  	[smem:$0x3F9B] =	sst s1;
	(tag) =	ssettag s2;
	_ =	strace s9  }
0x27: {  	s1 =	sld [smem:$0x3FAB]  }
0x28: {  	s2 =	sld [smem:$0x3FAC]  }
0x29: {  	s4 =	sld [smem:$0x3FAE]  }
0x2a: {  	p0 =	seq.s32 s5, $0x0;
	s5 =	sld [smem:$0x3FAF]  }
0x2b: {  	s6 =	sld [smem:$0x3FB0]  }
0x2c: {  	s7 =	sld [smem:$0x3FB1]  }
0x2d: {  	s3 =	simm.s32 $0x108;
	s8 =	sld [smem:$0x3FB2]  }
0x2e: {  	s3 =	simm.s32 @!p0 $0x1082;
	s9 =	sld [smem:$0x3FB3]  }
0x2f: {  	lr =	sadd.s32 s0, s3;
	s0 =	sld [smem:$0x3FAA]  }
0x30: {  	s3 =	sld [smem:$0x3FAD]  }
0x31: {  	[smem:$0x3FB6] =	sst s10  }
0x32: {  	s10 =	sld [smem:$0x3FB4];
	_ =	sdelay $0x3  }
0x33: {  	p0 =	seq.s32 s10, $0x1;
	s10 =	sld [smem:$0x3FB6];
	_ =	sdelay $0x3  }
0x34: {  	[smem:$0x3FB6] =	sst s10  }
0x35: {  	s10 =	sld [smem:$0x3FB5];
	_ =	sdelay $0x3  }
0x36: {  	p1 =	seq.s32 s10, $0x1;
	s10 =	sld [smem:$0x3FB6];
	_ =	sdelay $0x3  }
0x37: {  	[smem:$0x3FB6] =	sst s10  }
0x38: {  	s10 =	sld [smem:$0x3FB7]  }
0x39: {  	_ = 	snop;
	(pc) =	sbr.ind lr, $3  }
0x3a: {  	_ = 	snop  }
0x3b: {  	_ = 	snop  }
0x3c: {  	p2 =	seq.s32 s10, $0x1;
	s10 =	sld [smem:$0x3FB6]  }
0x3d: {  	_ =	shalt  }
0x3e: {  	_ =	shalt  }
0x3f: {  	_ =	shalt  }
0x40: {  	_ =	shalt  }
0x41: {  	_ =	shalt  }
0x42: {  	_ =	shalt  }
0x43: {  	_ =	shalt  }
0x44: {  	_ =	shalt  }
0x45: {  	_ =	shalt  }
0x46: {  	_ =	shalt  }
0x47: {  	_ =	shalt  }
0x48: {  	_ =	shalt  }
0x49: {  	_ =	shalt  }
0x4a: {  	_ =	shalt  }
0x4b: {  	_ =	shalt  }
0x4c: {  	_ =	shalt  }
0x4d: {  	_ =	shalt  }
0x4e: {  	_ =	shalt  }
0x4f: {  	_ =	shalt  }
0x50: {  	_ =	shalt  }
0x51: {  	_ =	shalt  }
0x52: {  	_ =	shalt  }
0x53: {  	_ =	shalt  }
0x54: {  	_ =	shalt  }
0x55: {  	_ =	shalt  }
0x56: {  	_ =	shalt  }
0x57: {  	_ =	shalt  }
0x58: {  	_ =	shalt  }
0x59: {  	_ =	shalt  }
0x5a: {  	_ =	shalt  }
0x5b: {  	_ =	shalt  }
0x5c: {  	_ =	shalt  }
0x5d: {  	_ =	shalt  }
0x5e: {  	_ =	shalt  }
0x5f: {  	_ =	shalt  }
0x60: {  	_ =	shalt  }
0x61: {  	_ =	shalt  }
0x62: {  	_ =	shalt  }
0x63: {  	_ =	shalt  }
0x64: {  	_ =	shalt  }
0x65: {  	_ =	shalt  }
0x66: {  	_ =	shalt  }
0x67: {  	_ =	shalt  }
0x68: {  	_ =	shalt  }
0x69: {  	_ =	shalt  }
0x6a: {  	_ =	shalt  }
0x6b: {  	_ =	shalt  }
0x6c: {  	_ =	shalt  }
0x6d: {  	_ =	shalt  }
0x6e: {  	_ =	shalt  }
0x6f: {  	_ =	shalt  }
0x70: {  	_ =	shalt  }
0x71: {  	_ =	shalt  }
0x72: {  	_ =	shalt  }
0x73: {  	_ =	shalt  }
0x74: {  	_ =	shalt  }
0x75: {  	_ =	shalt  }
0x76: {  	_ =	shalt  }
0x77: {  	_ =	shalt  }
0x78: {  	_ =	shalt  }
0x79: {  	_ =	shalt  }
0x7a: {  	_ =	shalt  }
0x7b: {  	_ =	shalt  }
0x7c: {  	_ =	shalt  }
0x7d: {  	_ =	shalt  }
0x7e: {  	_ =	shalt  }
0x7f: {  	_ =	shalt  }
0x80: {  	_ =	shalt  }
0x81: {  	_ =	shalt  }
0x82: {  	_ =	shalt  }
0x83: {  	_ =	shalt  }
0x84: {  	_ =	shalt  }
0x85: {  	_ =	shalt  }
0x86: {  	_ =	shalt  }
0x87: {  	_ =	shalt  }
.Lfunc_end0:
.L_simem_size_0:
called_computation_lowered:
.L_overlay_start_0:
0x88: {  	s2 =	sld [smem:$0x3FD9]  }
0x89: {  	s3 =	sld [smem:$0x3FFE];
	_ =	sdelay $0x1  }
0x8a: {  	s1 =	srdreg.scid  }
0x8b: {  	s0 =	sand.u32 $0x1, s1  }
0x8c: {  	s16 =	sshll.u32 s0, $0xA;
	s2 =	sadd.s32 s3, s2  }
0x8d: {  	s2 =	sadd.s32 s2, s16  }
0x8e: {  	[smem:$0x3FC2] =	sst s2  }
0x8f: {  	_ = 	snop  }
0x90: {  	(tm) =	ssettm $0x1  }
0x91: {  	s17 =	sld [smem:$0x3FFB];
	_ =	sdelay $0x3  }
0x92: {  	_ =	strace s17  }
0x93: {  	s2 =	sld [smem:$0x3FFC];
	_ =	sdelay $0x3  }
0x94: {  	_ =	strace s2  }
0x95: {  	s2 =	sld [smem:$0x3FFD];
	_ =	sdelay $0x3  }
0x96: {  	_ =	strace s2  }
0x97: {  	_ =	strace $0x8FFFFFFF  }
0x98: {  	s18 =	sld [smem:$0x3FDB];
	_ =	sdelay $0x1  }
0x99: {  	s19 =	simm.s32 $_scs_section_size  }
0x9a: {  	s4 =	simm.s32 $_size__tile_overlayer_lowered;
	s5 =	simm.s32 $_tile_overlayer_lowered  }
0x9b: {  	s22 =	simm.s32 $0x1BFF;
	s21 =	sshll.u32 s5, $0x1;
	s2 =	sadd.s32 s19, s18  }
0x9c: {  	s6 =	simm.s32 $0x0;
	s20 =	sshll.u32 s4, $0x1;
	s4 =	sadd.s32 s21, s2  }
0x9d: {  	[timem:s6], [sflag:s22] =	dma.local [hbm:s4], s20  }
0x9e: {  	_ =	swait.ge [sflag:s22], s20  }
0x9f: {  	s3 =	ssub.s32 $0x0, s20;
	[sflag:s22] =	ssyncset.done $0x0  }
0xa0: {  	[sflag:s22] =	ssyncadd.s32 s3;
	_ =	sdelay $0x1  }
0xa1: {  	s23 =	simm.s32 $0x1B8B  }
0xa2: {  	_ =	swait.ge [sflag:s23], $0x1  }
0xa3: {  	[sflag:s23] =	ssyncset.done $0x0  }
0xa4: {  	s25 =	simm.s32 $0x1B8E;
	s24 =	sld [smem:$0x3FFE];
	[sflag:s23] =	ssyncadd.s32 $0xFFFFFFFF  }
0xa5: {  	s26 =	simm.s32 $execute0_lowered;
	[smem:$0x3FD2] =	sst s25  }
0xa6: {  	s4 =	sshll.u32 s26, $0x1;
	_ =	strace $0x80000046;
	[dreg:$0x1] =	wrdreg $0xFFFFFFFF  }
0xa7: {  	s28 =	simm.s32 $_size_execute0_lowered;
	s2 =	sadd.s32 s2, s4;
	[dreg:$0x0] =	wrdreg $0x0  }
0xa8: {  	s4 =	sshll.u32 s28, $0x1;
	[dreg:$0x2] =	wrdreg s2  }
0xa9: {  	[dreg:$0x3] =	wrdreg s4  }
0xaa: {  	[dreg:$0x4] =	wrdreg $0xC0  }
0xab: {  	_ =	task [dreg:s6], $0x5FFFF  }
0xac: {  	[dreg:$0x1] =	wrdreg $0xFFFFFFFF  }
0xad: {  	[dreg:$0x0] =	wrdreg $0x60  }
0xae: {  	[dreg:$0x2] =	wrdreg s24  }
0xaf: {  	[dreg:$0x3] =	wrdreg $0x30800  }
0xb0: {  	[dreg:$0x4] =	wrdreg $0x9  }
0xb1: {  	_ =	task.clear_ibuf [dreg:s6], $0x5FFFF;
	_ =	strace $0x90000046  }
0xb2: {  	s29 =	simm.s32 $0x9;
	_ =	strace $0x80000048  }
0xb3: {  	_ =	swait.ge [sflag:s29], $0x1  }
0xb4: {  	[sflag:s29] =	ssyncadd.s32 $0xFFFFFFFF  }
0xb5: {  	_ =	strace $0x90000048  }
0xb6: {  	_ =	sfence  }
0xb7: {  	s30 =	sld [smem:$0x0];
	_ =	sdelay $0x2  }
0xb8: {  	s31 =	sshll.u32 s1, $0xD;
	s1 =	sshrl.u32 s1, $0x2  }
0xb9: {  	s3 =	sand.u32 $0x4000, s31;
	s1 =	sadd.s32 s1, s30  }
0xba: {  	s0 =	sor.u32 s3, s0;
	s1 =	sshll.u32 s1, $0x11  }
0xbb: {  	s0 =	sor.u32 s1, s0  }
0xbc: {  	s0 =	sadd.s32 $0x8F2B, s0  }
0xbd: {  	[sflag:s0] =	ssyncadd.remote.s32 $0x1  }
0xbe: {  	_ =	sfence.sel $0xFFFF  }
0xbf: {  	[dreg:$0x0] =	wrdreg $0xFFFFFFFF;
	(pc) =	sbr.abs _section_cstart, $3  }
0xc0: {  	[dreg:$0x1] =	wrdreg $0xFFFFFFFF  }
0xc1: {  	_ =	task.clear_ibuf [dreg:s6], $0x2FFFF;
	_ =	strace $0x9FFFFFFF  }
0xc2: {  	(tm) =	ssettm $0x7FFFFFFF  }
0xc3: {  	_ =	shalt  }
tec
execute0_lowered:
.L_overlay_start_1:
0x0: {  	(tag) =	ssettag $0x1  }
0x1: {  	s0 =	srdreg.scid;
	s6 =	rddreg [dreg:$0x0]  }
0x2: {  	s2 =	rddreg [dreg:$0x1];
	s7 =	sand.u32 $0x1, s0  }
0x3: {  	s0 =	stileid.u32;
	s4 =	smul.u32 $0x28000, s7  }
0x4: {  	s1 =	rddreg [dreg:$0x2];
	s3 =	simm.s32 $0x0;
	s5 =	smul.u32 $0x2800, s0  }
0x5: {  	s12 =	simm.s32 $0x880;
	s13 =	simm.s32 $0x0;
	s8 =	smul.u32 $0x500, s0  }
0x6: {  	[smem:$0x7FF] =	sst s3;
	s9 =	smul.u32 $0x5000, s7;
	s7 =	ssub.s32 $0x2, s7  }
0x7: {  	_ =	strace $0x80000047;
	s11 =	smul.u32 $0xA000, s0;
	s29 =	sshrl.u32 s7, $0x1  }
0x8: {  	s4 =	sadd.s32 s5, s4;
	s5 =	sadd.s32 $0xBA00, s6;
	s8 =	sadd.s32 s8, s9  }
0x9: {  	s30 =	sshrl.u32 s11, $0x2;
	s31 =	ssub.s32 s7, s29;
	s4 =	sshrl.u32 s4, $0x3  }
0xa: {  	s11 =	simm.s32 $0x1;
	s8 =	sadd.s32 s8, s6;
	s10 =	sadd.s32 s4, s6  }
0xb: {  	s4 =	sadd.s32 $0xB800, s6;
	s6 =	sadd.s32 s30, s2;
	s7 =	sadd.s32 $0xC000, s8  }
0xc: {  	s8 =	smax.u32 s31, $0x1;
	s9 =	sadd.s32 $0x1800, s10;
	s10 =	simm.s32 $0x80  }
.LBB2_1:
0xd: {  	[tilespmem:s10], [sflag:$0x1] =	stream.linear.gather [hbm4b:s4+s3], $0x800, $0x38;
	[tilespmem:$0x5880] =	vst v63  }
0xe: {  	_ =	swait.ge [sflag:s11], $0x800  }
0xf: {  	[sflag:s11] =	ssyncset.done $0x0  }
0x10: {  	[sflag:s11] =	ssyncadd.s32 $0xFFFFF800  }
0x11: {  	[tilespmem:s12], [sflag:$0x1] =	stream.linear.gather [hbm4b:s5+s3], $0x2800, $0x38;
	[tilespmem:$0x5880] =	vst v63  }
0x12: {  	_ =	swait.ge [sflag:s11], $0x2800  }
0x13: {  	[sflag:s11] =	ssyncset.done $0x0  }
0x14: {  	[sflag:s11] =	ssyncadd.s32 $0xFFFFD800  }
0x15: {  	[spmem:s6] =	stream.linear.scatter [tilespmem:s12], [sflag:$0x1], $0x2800, $0x38;
	[tilespmem:$0x5880] =	vst v63  }
0x16: {  	_ =	swait.ge [sflag:s11], $0x2800  }
0x17: {  	[sflag:s11] =	ssyncset.done $0x0  }
0x18: {  	[sflag:s11] =	ssyncadd.s32 $0xFFFFD800  }
0x19: {  	s14 =	sadd.s32 $0x0, s9;
	[bflag:$0x0] =	sbarrier.arrive $0xFFFF  }
0x1a: {  	[tilespmem:s3], [sflag:$0x1] =	stream.linear.gather [hbm4b:s14+s3], $0x80, $0x38;
	[tilespmem:$0x5880] =	vst v63  }
0x1b: {  	_ =	swait.ge [sflag:s11], $0x80  }
0x1c: {  	[sflag:s11] =	ssyncset.done $0x0  }
0x1d: {  	[sflag:s11] =	ssyncadd.s32 $0xFFFFFF80  }
0x1e: {  	[spmem:s2] =	stream.indirect.scatter.add.f32 [tilespmem:s10], [sflag:$0x1], $0x10, s3, s10, $0xb8;
	[tilespmem:$0x5880] =	vst v63  }
0x1f: {  	_ =	swait.ge [sflag:s11], $0x800  }
0x20: {  	s15 =	simm.s32 $0x20;
	s14 =	simm.s32 $0x10;
	[sflag:s11] =	ssyncset.done $0x0  }
.LBB2_2:
0x21: {  	s16 =	sadd.s32 s14, s9  }
0x22: {  	[sflag:s11] =	ssyncadd.s32 $0xFFFFF800;
	s14 =	smov.u32 s15;
	s17 =	sadd.s32 $0x10, s15  }
0x23: {  	[tilespmem:s3], [sflag:$0x1] =	stream.linear.gather [hbm4b:s16+s3], $0x80, $0x38;
	[tilespmem:$0x5880] =	vst v63  }
0x24: {  	p0 =	sne.s32 s15, $0x4F0;
	_ =	swait.ge [sflag:s11], $0x80  }
.Ltmp0:
0x25: {  	[sflag:s11] =	ssyncset.done $0x0;
	(pc) =	sbr.rel @p0 .LBB2_2-.Ltmp0, $4  }
0x26: {  	[sflag:s11] =	ssyncadd.s32 $0xFFFFFF80  }
0x27: {  	[spmem:s2] =	stream.indirect.scatter.add.f32 [tilespmem:s10], [sflag:$0x1], $0x10, s3, s10, $0xb8;
	[tilespmem:$0x5880] =	vst v63  }
0x28: {  	_ =	swait.ge [sflag:s11], $0x800  }
0x29: {  	s15 =	smov.u32 s17;
	[sflag:s11] =	ssyncset.done $0x0  }
0x2a: {  	s14 =	sadd.s32 s14, s9;
	[sflag:s11] =	ssyncadd.s32 $0xFFFFF800  }
0x2b: {  	[tilespmem:s3], [sflag:$0x1] =	stream.linear.gather [hbm4b:s14+s3], $0x80, $0x38;
	[tilespmem:$0x5880] =	vst v63  }
0x2c: {  	_ =	swait.ge [sflag:s11], $0x80  }
0x2d: {  	[sflag:s11] =	ssyncset.done $0x0  }
0x2e: {  	[sflag:s11] =	ssyncadd.s32 $0xFFFFFF80  }
0x2f: {  	[spmem:s2] =	stream.indirect.scatter.add.f32 [tilespmem:s10], [sflag:$0x1], $0x10, s3, s10, $0xb8;
	[tilespmem:$0x5880] =	vst v63  }
0x30: {  	_ =	swait.ge [sflag:s11], $0x800  }
0x31: {  	[sflag:s11] =	ssyncset.done $0x0  }
0x32: {  	[sflag:s11] =	ssyncadd.s32 $0xFFFFF800  }
0x33: {  	[bflag:$0x0] =	sbarrier.arrive $0xFFFF  }
0x34: {  	[tilespmem:s12], [sflag:$0x1] =	stream.linear.gather [spmem:s6], $0x2800, $0x38;
	[tilespmem:$0x5880] =	vst v63  }
0x35: {  	s13 =	sadd.s32 $0x1, s13;
	_ =	swait.ge [sflag:s11], $0x2800  }
0x36: {  	p0 =	sne.s32 s13, s8;
	[sflag:s11] =	ssyncset.done $0x0  }
.Ltmp1:
0x37: {  	[sflag:s11] =	ssyncadd.s32 $0xFFFFD800;
	(pc) =	sbr.rel @p0 .LBB2_1-.Ltmp1, $4  }
0x38: {  	[hbm4b:s7+s3] =	stream.linear.scatter [tilespmem:s12], [sflag:$0x1], $0x2800, $0x38;
	[tilespmem:$0x5880] =	vst v63  }
0x39: {  	_ =	swait.ge [sflag:s11], $0x2800  }
0x3a: {  	[sflag:s11] =	ssyncset.done $0x0  }
0x3b: {  	[sflag:s11] =	ssyncadd.s32 $0xFFFFD800  }
0x3c: {  	_ =	sfence.sel $0x180000  }
0x3d: {  	[bflag:$0x0] =	sbarrier.arrive $0xFFFF  }
0x3e: {  	p0 =	sne.s32 s0, $0x0;
	_ =	strace $0x90000047  }
0x3f: {  	s0 =	sadd.s32 @!p0 $0x100000, s1;
	[bflag:$0x2] =	sbarrier.arrive $0xFFFF  }
0x40: {  	[sflag:s0] =	ssyncadd.tile.s32 @!p0 $0x1;
	_ =	shalt  }
.Lfunc_end2:
_tile_overlayer_lowered:
.L_overlay_start_2:
0x41: {  	(tag) =	ssettag $0x2  }
0x42: {  	s0 =	rddreg [dreg:$0x0];
	s2 =	stileid.u32  }
0x43: {  	s1 =	rddreg [dreg:$0x1];
	p0 =	sne.s32 s2, $0x0  }
0x44: {  	s3 =	rddreg [dreg:$0x2];
	[bflag:$0x3] =	sbarrier.arrive $0xFFFF;
	s2 =	simm.s32 @!p0 $0x1C01  }
0x45: {  	[timem:s3], [sflag:s2] =	dma.local @!p0 [hbm:s0], s1  }
0x46: {  	s0 =	simm.s32 @!p0 $0x1  }
0x47: {  	_ =	swait.ge @!p0 [sflag:s0], s1  }
0x48: {  	s1 =	ssub.s32 @!p0 $0x0, s1;
	[sflag:s0] =	ssyncset.done @!p0 $0x0  }
0x49: {  	[sflag:s0] =	ssyncadd.s32 @!p0 s1  }
0x4a: {  	[bflag:$0x3] =	sbarrier.arrive $0xFFFF  }
0x4b: {  	_ =	shalt  }

</sc_bundles>
